<compile_context>
chip_gen: v7x
topology: tpu7x:2x2x1
jax: 0.10.2.dev20260603
libtpu: 0.0.44.dev20260713+nightly
codegen_flags: <defaults>
</compile_context>

<pallas_src>
import functools

import jax
import jax.numpy as jnp
from jax import lax
from jax.experimental import pallas as pl
from jax.experimental.pallas import tpu as pltpu
from jax.experimental.pallas import tpu_sc as plsc

N_NODES = 10000
N_PAD = 10240
NROW = N_PAD // 128
E = 320000
NC, NS, L = 2, 16, 16
NW = NC * NS
EPT = E // NW
KB = 80
NB = EPT // KB
NCH = 5
CB = NB // NCH
NSLOT = 3

_mesh = plsc.VectorSubcoreMesh(
    core_axis_name="c", subcore_axis_name="s", num_cores=NC, num_subcores=NS
)
_sc_params = pltpu.CompilerParams(needs_layout_passes=False)


@functools.partial(
    pl.kernel,
    out_type=[
        jax.ShapeDtypeStruct((NW, N_PAD), jnp.float32),
        jax.ShapeDtypeStruct((NW, N_PAD), jnp.float32),
    ],
    mesh=_mesh,
    scratch_types=[
        pltpu.VMEM((NB, KB), jnp.int32),
        pltpu.VMEM((NB, KB), jnp.int32),
        pltpu.VMEM((N_PAD,), jnp.float32),
        pltpu.VMEM((N_PAD,), jnp.float32),
        pltpu.SemaphoreType.DMA,
    ],
    compiler_params=_sc_params,
)
def _deg_kernel(edge_hbm, sdeg_out, ddeg_out, src_v, dst_v, hs, hd, tsem):
    cid = lax.axis_index("c")
    sid = lax.axis_index("s")
    wid = cid * NS + sid

    def stage(c, _):
        pltpu.async_copy(edge_hbm.at[0, wid, c], src_v.at[pl.ds(c * CB, CB)], tsem)
        pltpu.async_copy(edge_hbm.at[1, wid, c], dst_v.at[pl.ds(c * CB, CB)], tsem)
        return _

    lax.fori_loop(0, NCH, stage, 0)

    zero16 = jnp.zeros((L,), jnp.float32)

    def zpriv(i, _):
        hs[pl.ds(i * L, L)] = zero16
        hd[pl.ds(i * L, L)] = zero16
        return _

    lax.fori_loop(0, N_PAD // L, zpriv, 0)

    def drain(c, _):
        pltpu.make_async_copy(
            edge_hbm.at[0, wid, c], src_v.at[pl.ds(c * CB, CB)], tsem).wait()
        pltpu.make_async_copy(
            edge_hbm.at[1, wid, c], dst_v.at[pl.ds(c * CB, CB)], tsem).wait()
        return _

    lax.fori_loop(0, NCH, drain, 0)

    ones = jnp.ones((L,), jnp.float32)
    _PB = KB // L

    def hbody(i, _):
        bq = i // _PB
        o = (i % _PB) * L
        sv = src_v[bq, pl.ds(o, L)]
        dv = dst_v[bq, pl.ds(o, L)]
        plsc.addupdate_scatter(hs, [sv], ones)
        plsc.addupdate_scatter(hd, [dv], ones)
        return _

    lax.fori_loop(0, EPT // L, hbody, 0)

    pltpu.sync_copy(hs, sdeg_out.at[wid])
    pltpu.sync_copy(hd, ddeg_out.at[wid])


@functools.partial(
    pl.kernel,
    out_type=jax.ShapeDtypeStruct((NC, N_PAD, 128), jnp.float32),
    mesh=_mesh,
    scratch_types=[
        pltpu.VMEM((CB, KB), jnp.int32),
        pltpu.VMEM((CB, KB), jnp.int32),
        pltpu.VMEM((NSLOT * KB, 128), jnp.float32),
        pltpu.SemaphoreType.DMA,
        pltpu.SemaphoreType.DMA,
        pltpu.VMEM_SHARED((N_PAD, 128), jnp.float32),
    ],
    compiler_params=_sc_params,
)
def _agg_kernel(xs_hbm, edge_hbm, pooled_out,
                src_v, dst_v, buf, gsem, ssem, acc):
    cid = lax.axis_index("c")
    sid = lax.axis_index("s")
    wid = cid * NS + sid

    zero16 = jnp.zeros((L,), jnp.float32)

    def zbuf(i, _):
        r = i // 8
        c = (i % 8) * L
        buf[r, pl.ds(c, L)] = zero16
        return _

    lax.fori_loop(0, KB * 8, zbuf, 0)

    def zacc(i, _):
        pltpu.sync_copy(buf.at[pl.ds(0, KB)],
                        acc.at[pl.ds(sid * 640 + i * KB, KB)])
        return _

    lax.fori_loop(0, 640 // KB, zacc, 0)
    plsc.subcore_barrier()

    def gather(q, slot):
        return pltpu.async_copy(
            xs_hbm.at[src_v.at[q]], buf.at[pl.ds(slot * KB, KB)], gsem)

    def wait_scatter(q):
        pltpu.make_async_copy(
            buf.at[pl.ds((q % NSLOT) * KB, KB)],
            acc.at[dst_v.at[q]], ssem).wait()

    def chunk(ch, _):
        pltpu.sync_copy(edge_hbm.at[0, wid, ch], src_v)
        pltpu.sync_copy(edge_hbm.at[1, wid, ch], dst_v)
        for s in range(NSLOT - 1):
            gather(s, s)

        def body(q, carry):
            slot = q % NSLOT
            @pl.when(q >= 1)
            def drain():
                wait_scatter(q - 1)

            @pl.when(q + NSLOT - 1 < CB)
            def refire():
                gather(q + NSLOT - 1, (q + NSLOT - 1) % NSLOT)

            pltpu.make_async_copy(
                xs_hbm.at[src_v.at[q]], buf.at[pl.ds(slot * KB, KB)], gsem
            ).wait()
            pltpu.async_copy(buf.at[pl.ds(slot * KB, KB)],
                             acc.at[dst_v.at[q]], ssem, add=True)
            return carry

        lax.fori_loop(0, CB, body, 0)
        wait_scatter(CB - 1)
        return _

    lax.fori_loop(0, NCH, chunk, 0)

    plsc.subcore_barrier()
    pltpu.sync_copy(acc.at[pl.ds(sid * 640, 640)],
                    pooled_out.at[cid, pl.ds(sid * 640, 640)])


def _scales_body(sdeg_ref, ddeg_ref, s_ref, r_ref):
    s_ref[...] = lax.rsqrt(jnp.maximum(jnp.sum(sdeg_ref[...], axis=0), 1.0))
    r_ref[...] = lax.rsqrt(jnp.maximum(jnp.sum(ddeg_ref[...], axis=0), 1.0))


_scales = pl.pallas_call(
    _scales_body,
    out_shape=[
        jax.ShapeDtypeStruct((NROW, 128), jnp.float32),
        jax.ShapeDtypeStruct((NROW, 128), jnp.float32),
    ],
)


_BS2 = 2048


def _scale_body(s_ref, x_ref, xs_ref):
    xs_ref[...] = x_ref[...] * s_ref[...]


_scale = pl.pallas_call(
    _scale_body,
    grid=(N_PAD // _BS2,),
    in_specs=[
        pl.BlockSpec((_BS2, 1), lambda i: (i, 0)),
        pl.BlockSpec((_BS2, 128), lambda i: (i, 0)),
    ],
    out_specs=pl.BlockSpec((_BS2, 128), lambda i: (i, 0)),
    out_shape=jax.ShapeDtypeStruct((N_PAD, 128), jnp.float32),
)


_BS4 = 2048


def _final_body(p_ref, r_ref, w_ref, b_ref, o_ref):
    pooled = (p_ref[0] + p_ref[1]) * r_ref[...]
    acc = jnp.dot(pooled, w_ref[...], preferred_element_type=jnp.float32)
    o_ref[...] = jnp.maximum(acc + b_ref[...], 0.0)


_final = pl.pallas_call(
    _final_body,
    grid=(N_PAD // _BS4,),
    in_specs=[
        pl.BlockSpec((NC, _BS4, 128), lambda i: (0, i, 0)),
        pl.BlockSpec((_BS4, 1), lambda i: (i, 0)),
        pl.BlockSpec((128, 128), lambda i: (0, 0)),
        pl.BlockSpec((1, 128), lambda i: (0, 0)),
    ],
    out_specs=pl.BlockSpec((_BS4, 128), lambda i: (i, 0)),
    out_shape=jax.ShapeDtypeStruct((N_PAD, 128), jnp.float32),
)


def kernel(x, edge_index, W, b):
    edge_c = edge_index.astype(jnp.int32).reshape(2, NW, NCH, CB, KB)
    x_pad = jnp.pad(x, ((0, N_PAD - N_NODES), (0, 0)))

    sdeg, ddeg = _deg_kernel(edge_c)
    s3, r3 = _scales(sdeg.reshape(NW, NROW, 128), ddeg.reshape(NW, NROW, 128))
    s_col = s3.reshape(N_PAD, 1)
    r_col = r3.reshape(N_PAD, 1)

    x_scaled = _scale(s_col, x_pad)
    pooled = _agg_kernel(x_scaled, edge_c)
    out = _final(pooled, r_col, W, b.reshape(1, 128))
    return out[:N_NODES]

# --- scband reference (transcript-rebuilt; emitter-appended) ---
"""Pipeline reference for scband-gcnconv-850403525191 (READ-ONLY COPY).

The authoritative reference and input builder live on the scoring server;
editing this copy changes nothing except your own understanding.
"""

import jax, jax.numpy as jnp
import numpy as np

N_NODES = 10000
N_EDGES = 320000
D_FEAT = 128
UNITS = 128


def setup_inputs(seed: int = 0) -> dict:
    key = jax.random.key(seed)
    k1, k2, k3 = jax.random.split(key, 3)
    x = jax.random.normal(k1, (N_NODES, D_FEAT), dtype=jnp.float32)
    edge_index = jax.random.randint(k2, (2, N_EDGES), 0, N_NODES, dtype=jnp.int64)
    # Glorot-ish kernel for the Dense filter, zeros bias (Keras Dense default bias init)
    W = jax.random.normal(k3, (D_FEAT, UNITS), dtype=jnp.float32) * (1.0 / np.sqrt(D_FEAT))
    b = jnp.zeros((UNITS,), dtype=jnp.float32)
    return {"x": x, "edge_index": edge_index, "W": W, "b": b}


def reference(x, edge_index, W, b):
    # GCNConv with degree_normalization='in_out', no self loops, unit edge weights,
    # receiver_tag=TARGET (edge_index[1] receives), activation='relu', use_bias=True.
    src = edge_index[0]
    dst = edge_index[1]
    n = x.shape[0]
    e = src.shape[0]
    edge_w = jnp.ones((e,), dtype=x.dtype)
    # degrees via scatter-add (pool_edges_to_node sum)
    in_deg = jax.ops.segment_sum(edge_w, dst, num_segments=n)
    out_deg = jax.ops.segment_sum(edge_w, src, num_segments=n)
    # add_self_loops=False -> clamp degrees at 1
    in_deg = jnp.maximum(in_deg, 1.0)
    out_deg = jnp.maximum(out_deg, 1.0)
    sender_scale = jax.lax.rsqrt(out_deg)[:, None]     # 1/sqrt(deg_out_i)
    receiver_scale = jax.lax.rsqrt(in_deg)[:, None]    # 1/sqrt(deg_in_j)
    # scale sender features, broadcast to edges (gather), weight, pool to receiver
    x_scaled = x * sender_scale
    msgs = jnp.take(x_scaled, src, axis=0) * edge_w[:, None]
    pooled = jax.ops.segment_sum(msgs, dst, num_segments=n)
    pooled = pooled * receiver_scale
    # final Dense filter with relu
    out = jax.nn.relu(pooled @ W + b)
    return out

if __name__ == "__main__":
    import jax
    _d = setup_inputs()
    print(jax.jit(kernel)(*tuple(_d.values())))

</pallas_src>

<mosaic_0001>
#map = affine_map<(d0, d1) -> (0, 0)>
#map1 = affine_map<(d0, d1) -> (0, 0, 0, 0, 0)>
#map2 = affine_map<(d0, d1) -> (0, 0, 0)>
module attributes {stable_mosaic.version = 14 : i64} {
  func.func @_agg_kernel(%arg0: i32, %arg1: i32, %arg2: memref<10240x128xf32, #tpu.memory_space<hbm>>, %arg3: memref<2x32x5x25x80xi32, #tpu.memory_space<hbm>>, %arg4: memref<2x10240x128xf32, #tpu.memory_space<hbm>>, %arg5: memref<25x80xi32, #tpu.memory_space<vmem>>, %arg6: memref<25x80xi32, #tpu.memory_space<vmem>>, %arg7: memref<240x128xf32, #tpu.memory_space<vmem>>, %arg8: memref<!tpu.dma_semaphore, #tpu.memory_space<semaphore_mem>>, %arg9: memref<!tpu.dma_semaphore, #tpu.memory_space<semaphore_mem>>, %arg10: memref<10240x128xf32, #tpu.memory_space<vmem_shared>>) attributes {dimension_semantics = [#tpu.dimension_semantics<core_parallel>, #tpu.dimension_semantics<subcore_parallel>], iteration_bounds = array<i64: 2, 16>, scalar_prefetch = 0 : i64, scratch_operands = 6 : i64, tpu.core_type = #tpu.core_type<sc_vector_subcore>, window_params = [{transform_indices = #map}, {transform_indices = #map1}, {transform_indices = #map2}]} {
    %mul3A = arith.constant 16 : i32
    %mul3A_0 = arith.muli %arg0, %mul3A : i32
    %add3A = arith.addi %mul3A_0, %arg1 : i32
    %broadcast_in_dim3A = arith.constant 0.000000e+00 : f32
    %broadcast_in_dim3A_1 = vector.broadcast %broadcast_in_dim3A : f32 to vector<16xf32>
    %scan3A = arith.constant 0 : i32
    %scan3A_2 = arith.constant 0 : i32
    %scan3A_3 = arith.constant 640 : i32
    %scan3A_4 = arith.addi %scan3A_2, %scan3A_3 : i32
    %scan3A_5 = arith.constant 1 : i32
    scf.for %scan3A_24 = %scan3A_2 to %scan3A_4 step %scan3A_5  : i32 {
      %jit3A = arith.constant 8 : i32
      %div3A = arith.divsi %scan3A_24, %jit3A : i32
      %sign3A = arith.constant 0 : i32
      %sign3A_25 = arith.cmpi sgt, %scan3A_24, %sign3A : i32
      %sign3A_26 = arith.extui %sign3A_25 : i1 to i32
      %sign3A_27 = arith.constant 0 : i32
      %sign3A_28 = arith.cmpi slt, %scan3A_24, %sign3A_27 : i32
      %sign3A_29 = arith.extui %sign3A_28 : i1 to i32
      %sign3A_30 = arith.subi %sign3A_26, %sign3A_29 : i32
      %sign3A_31 = arith.constant 0 : i32
      %sign3A_32 = arith.cmpi sgt, %jit3A, %sign3A_31 : i32
      %sign3A_33 = arith.extui %sign3A_32 : i1 to i32
      %sign3A_34 = arith.constant 0 : i32
      %sign3A_35 = arith.cmpi slt, %jit3A, %sign3A_34 : i32
      %sign3A_36 = arith.extui %sign3A_35 : i1 to i32
      %sign3A_37 = arith.subi %sign3A_33, %sign3A_36 : i32
      %ne3A = arith.cmpi ne, %sign3A_30, %sign3A_37 : i32
      %rem3A = arith.remsi %scan3A_24, %jit3A : i32
      %ne3A_38 = arith.constant 0 : i32
      %ne3A_39 = arith.cmpi ne, %rem3A, %ne3A_38 : i32
      %and3A = arith.andi %ne3A, %ne3A_39 : i1
      %sub3A = arith.constant 1 : i32
      %sub3A_40 = arith.subi %div3A, %sub3A : i32
      %select_n3A = arith.select %and3A, %sub3A_40, %div3A : i32
      %jit3A_41 = arith.constant 8 : i32
      %eq3A = arith.constant 0 : i32
      %eq3A_42 = arith.cmpi eq, %jit3A_41, %eq3A : i32
      %jit3A_43 = arith.constant 1 : i32
      %select_n3A_44 = arith.select %eq3A_42, %jit3A_43, %jit3A_41 : i32
      %rem3A_45 = arith.remsi %scan3A_24, %select_n3A_44 : i32
      %ne3A_46 = arith.constant 0 : i32
      %ne3A_47 = arith.cmpi ne, %rem3A_45, %ne3A_46 : i32
      %lt3A = arith.constant 0 : i32
      %lt3A_48 = arith.cmpi slt, %rem3A_45, %lt3A : i32
      %lt3A_49 = arith.constant 0 : i32
      %lt3A_50 = arith.cmpi slt, %select_n3A_44, %lt3A_49 : i32
      %ne3A_51 = arith.xori %lt3A_48, %lt3A_50 : i1
      %and3A_52 = arith.andi %ne3A_51, %ne3A_47 : i1
      %add3A_53 = arith.addi %rem3A_45, %select_n3A_44 : i32
      %select_n3A_54 = arith.select %and3A_52, %add3A_53, %rem3A_45 : i32
      %mul3A_55 = arith.constant 16 : i32
      %mul3A_56 = arith.muli %select_n3A_54, %mul3A_55 : i32
      %swap3A = arith.index_cast %select_n3A : i32 to index
      %swap3A_57 = arith.index_cast %mul3A_56 : i32 to index
      %swap3A_58 = tpu.vector_load %arg7[%swap3A, %swap3A_57] {strides = array<i32>} : memref<240x128xf32, #tpu.memory_space<vmem>>, vector<16xf32>,
      tpu.vector_store %arg7[%swap3A, %swap3A_57], %broadcast_in_dim3A_1 {strides = array<i32>} : memref<240x128xf32, #tpu.memory_space<vmem>>, vector<16xf32>,
    }
    %scan3A_6 = arith.constant 640 : i32
    %scan3A_7 = arith.constant 0 : i32
    %scan3A_8 = arith.constant 0 : i32
    %scan3A_9 = arith.constant 8 : i32
    %scan3A_10 = arith.addi %scan3A_8, %scan3A_9 : i32
    %scan3A_11 = arith.constant 1 : i32
    scf.for %scan3A_24 = %scan3A_8 to %scan3A_10 step %scan3A_11  : i32 {
      %mul3A_25 = arith.constant 640 : i32
      %mul3A_26 = arith.muli %arg1, %mul3A_25 : i32
      %mul3A_27 = arith.constant 80 : i32
      %mul3A_28 = arith.muli %scan3A_24, %mul3A_27 : i32
      %add3A_29 = arith.addi %mul3A_26, %mul3A_28 : i32
      "tpu.region"() ({
        %run_scoped3A = tpu.sem_alloc : memref<!tpu.dma_semaphore, #tpu.memory_space<semaphore_mem>>
        %dma_start3A = arith.constant 0 : i32
        %dma_start3A_30 = arith.constant 0 : i32
        %dma_start3A_31 = tpu.memref_slice %arg7[%dma_start3A, %dma_start3A_30] : memref<240x128xf32, #tpu.memory_space<vmem>> -> memref<80x128xf32, #tpu.memory_space<vmem>>
        %dma_start3A_32 = arith.constant 0 : i32
        %dma_start3A_33 = tpu.memref_slice %arg10[%add3A_29, %dma_start3A_32] : memref<10240x128xf32, #tpu.memory_space<vmem_shared>> -> memref<80x128xf32, #tpu.memory_space<vmem_shared>>
        %dma_start3A_34 = arith.constant 0 : i32
        %dma_start3A_35 = tpu.memref_slice %arg10[%add3A_29, %dma_start3A_34] : memref<10240x128xf32, #tpu.memory_space<vmem_shared>> -> memref<80x128xf32, #tpu.memory_space<vmem_shared>>
        %dma_start3A_36 = arith.constant 0 : i32
        %dma_start3A_37 = arith.constant 0 : i32
        %dma_start3A_38 = tpu.memref_slice %arg7[%dma_start3A_36, %dma_start3A_37] : memref<240x128xf32, #tpu.memory_space<vmem>> -> memref<80x128xf32, #tpu.memory_space<vmem>>
        tpu.enqueue_dma source(%dma_start3A_38 : memref<80x128xf32, #tpu.memory_space<vmem>>) target(%dma_start3A_35 : memref<80x128xf32, #tpu.memory_space<vmem_shared>>) target_semaphore(%run_scoped3A : memref<!tpu.dma_semaphore, #tpu.memory_space<semaphore_mem>>)
        %dma_wait3A = arith.constant 0 : i32
        %dma_wait3A_39 = arith.constant 0 : i32
        %dma_wait3A_40 = tpu.memref_slice %arg7[%dma_wait3A, %dma_wait3A_39] : memref<240x128xf32, #tpu.memory_space<vmem>> -> memref<80x128xf32, #tpu.memory_space<vmem>>
        %dma_wait3A_41 = arith.constant 0 : i32
        %dma_wait3A_42 = tpu.memref_slice %arg10[%add3A_29, %dma_wait3A_41] : memref<10240x128xf32, #tpu.memory_space<vmem_shared>> -> memref<80x128xf32, #tpu.memory_space<vmem_shared>>
        %dma_wait3A_43 = arith.constant 0 : i32
        %dma_wait3A_44 = tpu.memref_slice %arg10[%add3A_29, %dma_wait3A_43] : memref<10240x128xf32, #tpu.memory_space<vmem_shared>> -> memref<80x128xf32, #tpu.memory_space<vmem_shared>>
        %dma_wait3A_45 = arith.constant 0 : i32
        %dma_wait3A_46 = arith.constant 0 : i32
        %dma_wait3A_47 = tpu.memref_slice %arg7[%dma_wait3A_45, %dma_wait3A_46] : memref<240x128xf32, #tpu.memory_space<vmem>> -> memref<80x128xf32, #tpu.memory_space<vmem>>
        tpu.wait_dma2 semaphore(%run_scoped3A : memref<!tpu.dma_semaphore, #tpu.memory_space<semaphore_mem>>) src(%dma_wait3A_47 : memref<80x128xf32, #tpu.memory_space<vmem>>) dst(%dma_wait3A_44 : memref<80x128xf32, #tpu.memory_space<vmem_shared>>)
        tpu.yield
      }) : () -> ()
    }
    %scan3A_12 = arith.constant 8 : i32
    %barrier3A = arith.constant 0 : index
    tpu.barrier barrier_id(%barrier3A)
    %scan3A_13 = arith.constant 0 : i32
    %scan3A_14 = arith.constant 0 : i32
    %scan3A_15 = arith.constant 5 : i32
    %scan3A_16 = arith.addi %scan3A_14, %scan3A_15 : i32
    %scan3A_17 = arith.constant 1 : i32
    scf.for %scan3A_24 = %scan3A_14 to %scan3A_16 step %scan3A_17  : i32 {
      %run_scoped3A = arith.constant 0 : i32
      "tpu.region"() ({
        %run_scoped3A_60 = tpu.sem_alloc : memref<!tpu.dma_semaphore, #tpu.memory_space<semaphore_mem>>
        %dma_start3A_61 = arith.constant 0 : i32
        %dma_start3A_62 = arith.constant 0 : i32
        %dma_start3A_63 = tpu.memref_slice %arg3[%run_scoped3A, %add3A, %scan3A_24, %dma_start3A_61, %dma_start3A_62] : memref<2x32x5x25x80xi32, #tpu.memory_space<hbm>> -> memref<1x1x1x25x80xi32, #tpu.memory_space<hbm>>
        %dma_start3A_64 = tpu.memref_squeeze %dma_start3A_63 : memref<1x1x1x25x80xi32, #tpu.memory_space<hbm>> -> memref<25x80xi32, #tpu.memory_space<hbm>>
        %dma_start3A_65 = arith.constant 0 : i32
        %dma_start3A_66 = arith.constant 0 : i32
        %dma_start3A_67 = tpu.memref_slice %arg3[%run_scoped3A, %add3A, %scan3A_24, %dma_start3A_65, %dma_start3A_66] : memref<2x32x5x25x80xi32, #tpu.memory_space<hbm>> -> memref<1x1x1x25x80xi32, #tpu.memory_space<hbm>>
        %dma_start3A_68 = tpu.memref_squeeze %dma_start3A_67 : memref<1x1x1x25x80xi32, #tpu.memory_space<hbm>> -> memref<25x80xi32, #tpu.memory_space<hbm>>
        tpu.enqueue_dma source(%dma_start3A_68 : memref<25x80xi32, #tpu.memory_space<hbm>>) target(%arg5 : memref<25x80xi32, #tpu.memory_space<vmem>>) target_semaphore(%run_scoped3A_60 : memref<!tpu.dma_semaphore, #tpu.memory_space<semaphore_mem>>)
        %dma_wait3A_69 = arith.constant 0 : i32
        %dma_wait3A_70 = arith.constant 0 : i32
        %dma_wait3A_71 = tpu.memref_slice %arg3[%run_scoped3A, %add3A, %scan3A_24, %dma_wait3A_69, %dma_wait3A_70] : memref<2x32x5x25x80xi32, #tpu.memory_space<hbm>> -> memref<1x1x1x25x80xi32, #tpu.memory_space<hbm>>
        %dma_wait3A_72 = tpu.memref_squeeze %dma_wait3A_71 : memref<1x1x1x25x80xi32, #tpu.memory_space<hbm>> -> memref<25x80xi32, #tpu.memory_space<hbm>>
        %dma_wait3A_73 = arith.constant 0 : i32
        %dma_wait3A_74 = arith.constant 0 : i32
        %dma_wait3A_75 = tpu.memref_slice %arg3[%run_scoped3A, %add3A, %scan3A_24, %dma_wait3A_73, %dma_wait3A_74] : memref<2x32x5x25x80xi32, #tpu.memory_space<hbm>> -> memref<1x1x1x25x80xi32, #tpu.memory_space<hbm>>
        %dma_wait3A_76 = tpu.memref_squeeze %dma_wait3A_75 : memref<1x1x1x25x80xi32, #tpu.memory_space<hbm>> -> memref<25x80xi32, #tpu.memory_space<hbm>>
        tpu.wait_dma2 semaphore(%run_scoped3A_60 : memref<!tpu.dma_semaphore, #tpu.memory_space<semaphore_mem>>) src(%dma_wait3A_76 : memref<25x80xi32, #tpu.memory_space<hbm>>) dst(%arg5 : memref<25x80xi32, #tpu.memory_space<vmem>>)
        tpu.yield
      }) : () -> ()
      %run_scoped3A_25 = arith.constant 1 : i32
      "tpu.region"() ({
        %run_scoped3A_60 = tpu.sem_alloc : memref<!tpu.dma_semaphore, #tpu.memory_space<semaphore_mem>>
        %dma_start3A_61 = arith.constant 0 : i32
        %dma_start3A_62 = arith.constant 0 : i32
        %dma_start3A_63 = tpu.memref_slice %arg3[%run_scoped3A_25, %add3A, %scan3A_24, %dma_start3A_61, %dma_start3A_62] : memref<2x32x5x25x80xi32, #tpu.memory_space<hbm>> -> memref<1x1x1x25x80xi32, #tpu.memory_space<hbm>>
        %dma_start3A_64 = tpu.memref_squeeze %dma_start3A_63 : memref<1x1x1x25x80xi32, #tpu.memory_space<hbm>> -> memref<25x80xi32, #tpu.memory_space<hbm>>
        %dma_start3A_65 = arith.constant 0 : i32
        %dma_start3A_66 = arith.constant 0 : i32
        %dma_start3A_67 = tpu.memref_slice %arg3[%run_scoped3A_25, %add3A, %scan3A_24, %dma_start3A_65, %dma_start3A_66] : memref<2x32x5x25x80xi32, #tpu.memory_space<hbm>> -> memref<1x1x1x25x80xi32, #tpu.memory_space<hbm>>
        %dma_start3A_68 = tpu.memref_squeeze %dma_start3A_67 : memref<1x1x1x25x80xi32, #tpu.memory_space<hbm>> -> memref<25x80xi32, #tpu.memory_space<hbm>>
        tpu.enqueue_dma source(%dma_start3A_68 : memref<25x80xi32, #tpu.memory_space<hbm>>) target(%arg6 : memref<25x80xi32, #tpu.memory_space<vmem>>) target_semaphore(%run_scoped3A_60 : memref<!tpu.dma_semaphore, #tpu.memory_space<semaphore_mem>>)
        %dma_wait3A_69 = arith.constant 0 : i32
        %dma_wait3A_70 = arith.constant 0 : i32
        %dma_wait3A_71 = tpu.memref_slice %arg3[%run_scoped3A_25, %add3A, %scan3A_24, %dma_wait3A_69, %dma_wait3A_70] : memref<2x32x5x25x80xi32, #tpu.memory_space<hbm>> -> memref<1x1x1x25x80xi32, #tpu.memory_space<hbm>>
        %dma_wait3A_72 = tpu.memref_squeeze %dma_wait3A_71 : memref<1x1x1x25x80xi32, #tpu.memory_space<hbm>> -> memref<25x80xi32, #tpu.memory_space<hbm>>
        %dma_wait3A_73 = arith.constant 0 : i32
        %dma_wait3A_74 = arith.constant 0 : i32
        %dma_wait3A_75 = tpu.memref_slice %arg3[%run_scoped3A_25, %add3A, %scan3A_24, %dma_wait3A_73, %dma_wait3A_74] : memref<2x32x5x25x80xi32, #tpu.memory_space<hbm>> -> memref<1x1x1x25x80xi32, #tpu.memory_space<hbm>>
        %dma_wait3A_76 = tpu.memref_squeeze %dma_wait3A_75 : memref<1x1x1x25x80xi32, #tpu.memory_space<hbm>> -> memref<25x80xi32, #tpu.memory_space<hbm>>
        tpu.wait_dma2 semaphore(%run_scoped3A_60 : memref<!tpu.dma_semaphore, #tpu.memory_space<semaphore_mem>>) src(%dma_wait3A_76 : memref<25x80xi32, #tpu.memory_space<hbm>>) dst(%arg6 : memref<25x80xi32, #tpu.memory_space<vmem>>)
        tpu.yield
      }) : () -> ()
      %dma_start3A = arith.constant 0 : i32
      %dma_start3A_26 = arith.constant 0 : i32
      %dma_start3A_27 = arith.constant 0 : i32
      %dma_start3A_28 = tpu.memref_slice %arg7[%dma_start3A_26, %dma_start3A_27] : memref<240x128xf32, #tpu.memory_space<vmem>> -> memref<80x128xf32, #tpu.memory_space<vmem>>
      %dma_start3A_29 = arith.constant 0 : i32
      %dma_start3A_30 = tpu.memref_slice %arg5[%dma_start3A, %dma_start3A_29] : memref<25x80xi32, #tpu.memory_space<vmem>> -> memref<1x80xi32, #tpu.memory_space<vmem>>
      %dma_start3A_31 = tpu.memref_squeeze %dma_start3A_30 : memref<1x80xi32, #tpu.memory_space<vmem>> -> memref<80xi32, #tpu.memory_space<vmem>>
      %dma_start3A_32 = arith.constant 0 : i32
      %dma_start3A_33 = arith.constant 0 : i32
      %dma_start3A_34 = tpu.memref_slice %arg2[%dma_start3A_32, %dma_start3A_33] : memref<10240x128xf32, #tpu.memory_space<hbm>> -> memref<10240x128xf32, #tpu.memory_space<hbm>>
      tpu.enqueue_indirect_dma source(%dma_start3A_34 : memref<10240x128xf32, #tpu.memory_space<hbm>>) target(%dma_start3A_28 : memref<80x128xf32, #tpu.memory_space<vmem>>) offsets(%dma_start3A_31 : memref<80xi32, #tpu.memory_space<vmem>>) semaphore(%arg8 : memref<!tpu.dma_semaphore, #tpu.memory_space<semaphore_mem>>)
      %dma_start3A_35 = arith.constant 1 : i32
      %dma_start3A_36 = arith.constant 80 : i32
      %dma_start3A_37 = arith.constant 0 : i32
      %dma_start3A_38 = tpu.memref_slice %arg7[%dma_start3A_36, %dma_start3A_37] : memref<240x128xf32, #tpu.memory_space<vmem>> -> memref<80x128xf32, #tpu.memory_space<vmem>>
      %dma_start3A_39 = arith.constant 0 : i32
      %dma_start3A_40 = tpu.memref_slice %arg5[%dma_start3A_35, %dma_start3A_39] : memref<25x80xi32, #tpu.memory_space<vmem>> -> memref<1x80xi32, #tpu.memory_space<vmem>>
      %dma_start3A_41 = tpu.memref_squeeze %dma_start3A_40 : memref<1x80xi32, #tpu.memory_space<vmem>> -> memref<80xi32, #tpu.memory_space<vmem>>
      %dma_start3A_42 = arith.constant 0 : i32
      %dma_start3A_43 = arith.constant 0 : i32
      %dma_start3A_44 = tpu.memref_slice %arg2[%dma_start3A_42, %dma_start3A_43] : memref<10240x128xf32, #tpu.memory_space<hbm>> -> memref<10240x128xf32, #tpu.memory_space<hbm>>
      tpu.enqueue_indirect_dma source(%dma_start3A_44 : memref<10240x128xf32, #tpu.memory_space<hbm>>) target(%dma_start3A_38 : memref<80x128xf32, #tpu.memory_space<vmem>>) offsets(%dma_start3A_41 : memref<80xi32, #tpu.memory_space<vmem>>) semaphore(%arg8 : memref<!tpu.dma_semaphore, #tpu.memory_space<semaphore_mem>>)
      %scan3A_45 = arith.constant 0 : i32
      %scan3A_46 = arith.constant 0 : i32
      %scan3A_47 = arith.constant 25 : i32
      %scan3A_48 = arith.addi %scan3A_46, %scan3A_47 : i32
      %scan3A_49 = arith.constant 1 : i32
      scf.for %scan3A_60 = %scan3A_46 to %scan3A_48 step %scan3A_49  : i32 {
        %jit3A = arith.constant 3 : i32
        %eq3A = arith.constant 0 : i32
        %eq3A_61 = arith.cmpi eq, %jit3A, %eq3A : i32
        %jit3A_62 = arith.constant 1 : i32
        %select_n3A = arith.select %eq3A_61, %jit3A_62, %jit3A : i32
        %rem3A = arith.remsi %scan3A_60, %select_n3A : i32
        %ne3A = arith.constant 0 : i32
        %ne3A_63 = arith.cmpi ne, %rem3A, %ne3A : i32
        %lt3A = arith.constant 0 : i32
        %lt3A_64 = arith.cmpi slt, %rem3A, %lt3A : i32
        %lt3A_65 = arith.constant 0 : i32
        %lt3A_66 = arith.cmpi slt, %select_n3A, %lt3A_65 : i32
        %ne3A_67 = arith.xori %lt3A_64, %lt3A_66 : i1
        %and3A = arith.andi %ne3A_67, %ne3A_63 : i1
        %add3A_68 = arith.addi %rem3A, %select_n3A : i32
        %select_n3A_69 = arith.select %and3A, %add3A_68, %rem3A : i32
        %ge3A = arith.constant 1 : i32
        %ge3A_70 = arith.cmpi sge, %scan3A_60, %ge3A : i32
        %convert_element_type3A = arith.extui %ge3A_70 : i1 to i32
        %cond3A = arith.constant 0 : i32
        %cond3A_71 = arith.cmpi ne, %convert_element_type3A, %cond3A : i32
        scf.if %cond3A_71 {
          %sub3A_100 = arith.constant 1 : i32
          %sub3A_101 = arith.subi %scan3A_60, %sub3A_100 : i32
          %jit3A_102 = arith.constant 3 : i32
          %eq3A_103 = arith.constant 0 : i32
          %eq3A_104 = arith.cmpi eq, %jit3A_102, %eq3A_103 : i32
          %jit3A_105 = arith.constant 1 : i32
          %select_n3A_106 = arith.select %eq3A_104, %jit3A_105, %jit3A_102 : i32
          %rem3A_107 = arith.remsi %sub3A_101, %select_n3A_106 : i32
          %ne3A_108 = arith.constant 0 : i32
          %ne3A_109 = arith.cmpi ne, %rem3A_107, %ne3A_108 : i32
          %lt3A_110 = arith.constant 0 : i32
          %lt3A_111 = arith.cmpi slt, %rem3A_107, %lt3A_110 : i32
          %lt3A_112 = arith.constant 0 : i32
          %lt3A_113 = arith.cmpi slt, %select_n3A_106, %lt3A_112 : i32
          %ne3A_114 = arith.xori %lt3A_111, %lt3A_113 : i1
          %and3A_115 = arith.andi %ne3A_114, %ne3A_109 : i1
          %add3A_116 = arith.addi %rem3A_107, %select_n3A_106 : i32
          %select_n3A_117 = arith.select %and3A_115, %add3A_116, %rem3A_107 : i32
          %mul3A_118 = arith.constant 80 : i32
          %mul3A_119 = arith.muli %select_n3A_117, %mul3A_118 : i32
          %dma_wait3A_120 = arith.constant 0 : i32
          %dma_wait3A_121 = tpu.memref_slice %arg7[%mul3A_119, %dma_wait3A_120] : memref<240x128xf32, #tpu.memory_space<vmem>> -> memref<80x128xf32, #tpu.memory_space<vmem>>
          %dma_wait3A_122 = arith.constant 0 : i32
          %dma_wait3A_123 = tpu.memref_slice %arg6[%sub3A_101, %dma_wait3A_122] : memref<25x80xi32, #tpu.memory_space<vmem>> -> memref<1x80xi32, #tpu.memory_space<vmem>>
          %dma_wait3A_124 = tpu.memref_squeeze %dma_wait3A_123 : memref<1x80xi32, #tpu.memory_space<vmem>> -> memref<80xi32, #tpu.memory_space<vmem>>
          %dma_wait3A_125 = arith.constant 0 : i32
          %dma_wait3A_126 = arith.constant 0 : i32
          %dma_wait3A_127 = tpu.memref_slice %arg10[%dma_wait3A_125, %dma_wait3A_126] : memref<10240x128xf32, #tpu.memory_space<vmem_shared>> -> memref<10240x128xf32, #tpu.memory_space<vmem_shared>>
          tpu.wait_indirect_dma semaphore(%arg9 : memref<!tpu.dma_semaphore, #tpu.memory_space<semaphore_mem>>) src(%dma_wait3A_121 : memref<80x128xf32, #tpu.memory_space<vmem>>) dst(%dma_wait3A_127 : memref<10240x128xf32, #tpu.memory_space<vmem_shared>>)
        } else {
        }
        %add3A_72 = arith.constant 3 : i32
        %add3A_73 = arith.addi %scan3A_60, %add3A_72 : i32
        %sub3A = arith.constant 1 : i32
        %sub3A_74 = arith.subi %add3A_73, %sub3A : i32
        %lt3A_75 = arith.constant 25 : i32
        %lt3A_76 = arith.cmpi slt, %sub3A_74, %lt3A_75 : i32
        %convert_element_type3A_77 = arith.extui %lt3A_76 : i1 to i32
        %cond3A_78 = arith.constant 0 : i32
        %cond3A_79 = arith.cmpi ne, %convert_element_type3A_77, %cond3A_78 : i32
        scf.if %cond3A_79 {
          %add3A_100 = arith.constant 3 : i32
          %add3A_101 = arith.addi %scan3A_60, %add3A_100 : i32
          %sub3A_102 = arith.constant 1 : i32
          %sub3A_103 = arith.subi %add3A_101, %sub3A_102 : i32
          %add3A_104 = arith.constant 3 : i32
          %add3A_105 = arith.addi %scan3A_60, %add3A_104 : i32
          %sub3A_106 = arith.constant 1 : i32
          %sub3A_107 = arith.subi %add3A_105, %sub3A_106 : i32
          %jit3A_108 = arith.constant 3 : i32
          %eq3A_109 = arith.constant 0 : i32
          %eq3A_110 = arith.cmpi eq, %jit3A_108, %eq3A_109 : i32
          %jit3A_111 = arith.constant 1 : i32
          %select_n3A_112 = arith.select %eq3A_110, %jit3A_111, %jit3A_108 : i32
          %rem3A_113 = arith.remsi %sub3A_107, %select_n3A_112 : i32
          %ne3A_114 = arith.constant 0 : i32
          %ne3A_115 = arith.cmpi ne, %rem3A_113, %ne3A_114 : i32
          %lt3A_116 = arith.constant 0 : i32
          %lt3A_117 = arith.cmpi slt, %rem3A_113, %lt3A_116 : i32
          %lt3A_118 = arith.constant 0 : i32
          %lt3A_119 = arith.cmpi slt, %select_n3A_112, %lt3A_118 : i32
          %ne3A_120 = arith.xori %lt3A_117, %lt3A_119 : i1
          %and3A_121 = arith.andi %ne3A_120, %ne3A_115 : i1
          %add3A_122 = arith.addi %rem3A_113, %select_n3A_112 : i32
          %select_n3A_123 = arith.select %and3A_121, %add3A_122, %rem3A_113 : i32
          %mul3A_124 = arith.constant 80 : i32
          %mul3A_125 = arith.muli %select_n3A_123, %mul3A_124 : i32
          %dma_start3A_126 = arith.constant 0 : i32
          %dma_start3A_127 = tpu.memref_slice %arg7[%mul3A_125, %dma_start3A_126] : memref<240x128xf32, #tpu.memory_space<vmem>> -> memref<80x128xf32, #tpu.memory_space<vmem>>
          %dma_start3A_128 = arith.constant 0 : i32
          %dma_start3A_129 = tpu.memref_slice %arg5[%sub3A_103, %dma_start3A_128] : memref<25x80xi32, #tpu.memory_space<vmem>> -> memref<1x80xi32, #tpu.memory_space<vmem>>
          %dma_start3A_130 = tpu.memref_squeeze %dma_start3A_129 : memref<1x80xi32, #tpu.memory_space<vmem>> -> memref<80xi32, #tpu.memory_space<vmem>>
          %dma_start3A_131 = arith.constant 0 : i32
          %dma_start3A_132 = arith.constant 0 : i32
          %dma_start3A_133 = tpu.memref_slice %arg2[%dma_start3A_131, %dma_start3A_132] : memref<10240x128xf32, #tpu.memory_space<hbm>> -> memref<10240x128xf32, #tpu.memory_space<hbm>>
          tpu.enqueue_indirect_dma source(%dma_start3A_133 : memref<10240x128xf32, #tpu.memory_space<hbm>>) target(%dma_start3A_127 : memref<80x128xf32, #tpu.memory_space<vmem>>) offsets(%dma_start3A_130 : memref<80xi32, #tpu.memory_space<vmem>>) semaphore(%arg8 : memref<!tpu.dma_semaphore, #tpu.memory_space<semaphore_mem>>)
        } else {
        }
        %mul3A_80 = arith.constant 80 : i32
        %mul3A_81 = arith.muli %select_n3A_69, %mul3A_80 : i32
        %dma_wait3A_82 = arith.constant 0 : i32
        %dma_wait3A_83 = tpu.memref_slice %arg7[%mul3A_81, %dma_wait3A_82] : memref<240x128xf32, #tpu.memory_space<vmem>> -> memref<80x128xf32, #tpu.memory_space<vmem>>
        %dma_wait3A_84 = arith.constant 0 : i32
        %dma_wait3A_85 = tpu.memref_slice %arg5[%scan3A_60, %dma_wait3A_84] : memref<25x80xi32, #tpu.memory_space<vmem>> -> memref<1x80xi32, #tpu.memory_space<vmem>>
        %dma_wait3A_86 = tpu.memref_squeeze %dma_wait3A_85 : memref<1x80xi32, #tpu.memory_space<vmem>> -> memref<80xi32, #tpu.memory_space<vmem>>
        %dma_wait3A_87 = arith.constant 0 : i32
        %dma_wait3A_88 = arith.constant 0 : i32
        %dma_wait3A_89 = tpu.memref_slice %arg2[%dma_wait3A_87, %dma_wait3A_88] : memref<10240x128xf32, #tpu.memory_space<hbm>> -> memref<10240x128xf32, #tpu.memory_space<hbm>>
        tpu.wait_indirect_dma semaphore(%arg8 : memref<!tpu.dma_semaphore, #tpu.memory_space<semaphore_mem>>) src(%dma_wait3A_89 : memref<10240x128xf32, #tpu.memory_space<hbm>>) dst(%dma_wait3A_83 : memref<80x128xf32, #tpu.memory_space<vmem>>)
        %mul3A_90 = arith.constant 80 : i32
        %mul3A_91 = arith.muli %select_n3A_69, %mul3A_90 : i32
        %dma_start3A_92 = arith.constant 0 : i32
        %dma_start3A_93 = tpu.memref_slice %arg7[%mul3A_91, %dma_start3A_92] : memref<240x128xf32, #tpu.memory_space<vmem>> -> memref<80x128xf32, #tpu.memory_space<vmem>>
        %dma_start3A_94 = arith.constant 0 : i32
        %dma_start3A_95 = tpu.memref_slice %arg6[%scan3A_60, %dma_start3A_94] : memref<25x80xi32, #tpu.memory_space<vmem>> -> memref<1x80xi32, #tpu.memory_space<vmem>>
        %dma_start3A_96 = tpu.memref_squeeze %dma_start3A_95 : memref<1x80xi32, #tpu.memory_space<vmem>> -> memref<80xi32, #tpu.memory_space<vmem>>
        %dma_start3A_97 = arith.constant 0 : i32
        %dma_start3A_98 = arith.constant 0 : i32
        %dma_start3A_99 = tpu.memref_slice %arg10[%dma_start3A_97, %dma_start3A_98] : memref<10240x128xf32, #tpu.memory_space<vmem_shared>> -> memref<10240x128xf32, #tpu.memory_space<vmem_shared>>
        tpu.enqueue_indirect_dma source(%dma_start3A_93 : memref<80x128xf32, #tpu.memory_space<vmem>>) target(%dma_start3A_99 : memref<10240x128xf32, #tpu.memory_space<vmem_shared>>) offsets(%dma_start3A_96 : memref<80xi32, #tpu.memory_space<vmem>>) semaphore(%arg9 : memref<!tpu.dma_semaphore, #tpu.memory_space<semaphore_mem>>) {add = true}
      }
      %scan3A_50 = arith.constant 25 : i32
      %dma_wait3A = arith.constant 24 : i32
      %dma_wait3A_51 = arith.constant 0 : i32
      %dma_wait3A_52 = arith.constant 0 : i32
      %dma_wait3A_53 = tpu.memref_slice %arg7[%dma_wait3A_51, %dma_wait3A_52] : memref<240x128xf32, #tpu.memory_space<vmem>> -> memref<80x128xf32, #tpu.memory_space<vmem>>
      %dma_wait3A_54 = arith.constant 0 : i32
      %dma_wait3A_55 = tpu.memref_slice %arg6[%dma_wait3A, %dma_wait3A_54] : memref<25x80xi32, #tpu.memory_space<vmem>> -> memref<1x80xi32, #tpu.memory_space<vmem>>
      %dma_wait3A_56 = tpu.memref_squeeze %dma_wait3A_55 : memref<1x80xi32, #tpu.memory_space<vmem>> -> memref<80xi32, #tpu.memory_space<vmem>>
      %dma_wait3A_57 = arith.constant 0 : i32
      %dma_wait3A_58 = arith.constant 0 : i32
      %dma_wait3A_59 = tpu.memref_slice %arg10[%dma_wait3A_57, %dma_wait3A_58] : memref<10240x128xf32, #tpu.memory_space<vmem_shared>> -> memref<10240x128xf32, #tpu.memory_space<vmem_shared>>
      tpu.wait_indirect_dma semaphore(%arg9 : memref<!tpu.dma_semaphore, #tpu.memory_space<semaphore_mem>>) src(%dma_wait3A_53 : memref<80x128xf32, #tpu.memory_space<vmem>>) dst(%dma_wait3A_59 : memref<10240x128xf32, #tpu.memory_space<vmem_shared>>)
    }
    %scan3A_18 = arith.constant 5 : i32
    %barrier3A_19 = arith.constant 0 : index
    tpu.barrier barrier_id(%barrier3A_19)
    %mul3A_20 = arith.constant 640 : i32
    %mul3A_21 = arith.muli %arg1, %mul3A_20 : i32
    %mul3A_22 = arith.constant 640 : i32
    %mul3A_23 = arith.muli %arg1, %mul3A_22 : i32
    "tpu.region"() ({
      %run_scoped3A = tpu.sem_alloc : memref<!tpu.dma_semaphore, #tpu.memory_space<semaphore_mem>>
      %dma_start3A = arith.constant 0 : i32
      %dma_start3A_24 = tpu.memref_slice %arg4[%arg0, %mul3A_23, %dma_start3A] : memref<2x10240x128xf32, #tpu.memory_space<hbm>> -> memref<1x640x128xf32, #tpu.memory_space<hbm>>
      %dma_start3A_25 = tpu.memref_squeeze %dma_start3A_24 : memref<1x640x128xf32, #tpu.memory_space<hbm>> -> memref<640x128xf32, #tpu.memory_space<hbm>>
      %dma_start3A_26 = arith.constant 0 : i32
      %dma_start3A_27 = tpu.memref_slice %arg10[%mul3A_21, %dma_start3A_26] : memref<10240x128xf32, #tpu.memory_space<vmem_shared>> -> memref<640x128xf32, #tpu.memory_space<vmem_shared>>
      tpu.enqueue_dma source(%dma_start3A_27 : memref<640x128xf32, #tpu.memory_space<vmem_shared>>) target(%dma_start3A_25 : memref<640x128xf32, #tpu.memory_space<hbm>>) target_semaphore(%run_scoped3A : memref<!tpu.dma_semaphore, #tpu.memory_space<semaphore_mem>>)
      %dma_wait3A = arith.constant 0 : i32
      %dma_wait3A_28 = tpu.memref_slice %arg4[%arg0, %mul3A_23, %dma_wait3A] : memref<2x10240x128xf32, #tpu.memory_space<hbm>> -> memref<1x640x128xf32, #tpu.memory_space<hbm>>
      %dma_wait3A_29 = tpu.memref_squeeze %dma_wait3A_28 : memref<1x640x128xf32, #tpu.memory_space<hbm>> -> memref<640x128xf32, #tpu.memory_space<hbm>>
      %dma_wait3A_30 = arith.constant 0 : i32
      %dma_wait3A_31 = tpu.memref_slice %arg10[%mul3A_21, %dma_wait3A_30] : memref<10240x128xf32, #tpu.memory_space<vmem_shared>> -> memref<640x128xf32, #tpu.memory_space<vmem_shared>>
      tpu.wait_dma2 semaphore(%run_scoped3A : memref<!tpu.dma_semaphore, #tpu.memory_space<semaphore_mem>>) src(%dma_wait3A_31 : memref<640x128xf32, #tpu.memory_space<vmem_shared>>) dst(%dma_wait3A_29 : memref<640x128xf32, #tpu.memory_space<hbm>>)
      tpu.yield
    }) : () -> ()
    return
  }
}

#map = affine_map<(d0, d1) -> (0, 0, 0, 0, 0)>
#map1 = affine_map<(d0, d1) -> (0, 0)>
module attributes {stable_mosaic.version = 14 : i64} {
  func.func @_deg_kernel(%arg0: i32, %arg1: i32, %arg2: memref<2x32x5x25x80xi32, #tpu.memory_space<hbm>>, %arg3: memref<32x10240xf32, #tpu.memory_space<hbm>>, %arg4: memref<32x10240xf32, #tpu.memory_space<hbm>>, %arg5: memref<125x80xi32, #tpu.memory_space<vmem>>, %arg6: memref<125x80xi32, #tpu.memory_space<vmem>>, %arg7: memref<10240xf32, #tpu.memory_space<vmem>>, %arg8: memref<10240xf32, #tpu.memory_space<vmem>>, %arg9: memref<!tpu.dma_semaphore, #tpu.memory_space<semaphore_mem>>) attributes {dimension_semantics = [#tpu.dimension_semantics<core_parallel>, #tpu.dimension_semantics<subcore_parallel>], iteration_bounds = array<i64: 2, 16>, scalar_prefetch = 0 : i64, scratch_operands = 5 : i64, tpu.core_type = #tpu.core_type<sc_vector_subcore>, window_params = [{transform_indices = #map}, {transform_indices = #map1}, {transform_indices = #map1}]} {
    %mul3A = arith.constant 16 : i32
    %mul3A_0 = arith.muli %arg0, %mul3A : i32
    %add3A = arith.addi %mul3A_0, %arg1 : i32
    %scan3A = arith.constant 0 : i32
    %scan3A_1 = arith.constant 0 : i32
    %scan3A_2 = arith.constant 5 : i32
    %scan3A_3 = arith.addi %scan3A_1, %scan3A_2 : i32
    %scan3A_4 = arith.constant 1 : i32
    scf.for %scan3A_27 = %scan3A_1 to %scan3A_3 step %scan3A_4  : i32 {
      %mul3A_28 = arith.constant 25 : i32
      %mul3A_29 = arith.muli %scan3A_27, %mul3A_28 : i32
      %dma_start3A = arith.constant 0 : i32
      %dma_start3A_30 = arith.constant 0 : i32
      %dma_start3A_31 = tpu.memref_slice %arg5[%mul3A_29, %dma_start3A_30] : memref<125x80xi32, #tpu.memory_space<vmem>> -> memref<25x80xi32, #tpu.memory_space<vmem>>
      %dma_start3A_32 = arith.constant 0 : i32
      %dma_start3A_33 = arith.constant 0 : i32
      %dma_start3A_34 = tpu.memref_slice %arg2[%dma_start3A, %add3A, %scan3A_27, %dma_start3A_32, %dma_start3A_33] : memref<2x32x5x25x80xi32, #tpu.memory_space<hbm>> -> memref<1x1x1x25x80xi32, #tpu.memory_space<hbm>>
      %dma_start3A_35 = tpu.memref_squeeze %dma_start3A_34 : memref<1x1x1x25x80xi32, #tpu.memory_space<hbm>> -> memref<25x80xi32, #tpu.memory_space<hbm>>
      %dma_start3A_36 = arith.constant 0 : i32
      %dma_start3A_37 = tpu.memref_slice %arg5[%mul3A_29, %dma_start3A_36] : memref<125x80xi32, #tpu.memory_space<vmem>> -> memref<25x80xi32, #tpu.memory_space<vmem>>
      %dma_start3A_38 = arith.constant 0 : i32
      %dma_start3A_39 = arith.constant 0 : i32
      %dma_start3A_40 = tpu.memref_slice %arg2[%dma_start3A, %add3A, %scan3A_27, %dma_start3A_38, %dma_start3A_39] : memref<2x32x5x25x80xi32, #tpu.memory_space<hbm>> -> memref<1x1x1x25x80xi32, #tpu.memory_space<hbm>>
      %dma_start3A_41 = tpu.memref_squeeze %dma_start3A_40 : memref<1x1x1x25x80xi32, #tpu.memory_space<hbm>> -> memref<25x80xi32, #tpu.memory_space<hbm>>
      tpu.enqueue_dma source(%dma_start3A_41 : memref<25x80xi32, #tpu.memory_space<hbm>>) target(%dma_start3A_37 : memref<25x80xi32, #tpu.memory_space<vmem>>) target_semaphore(%arg9 : memref<!tpu.dma_semaphore, #tpu.memory_space<semaphore_mem>>)
      %mul3A_42 = arith.constant 25 : i32
      %mul3A_43 = arith.muli %scan3A_27, %mul3A_42 : i32
      %dma_start3A_44 = arith.constant 1 : i32
      %dma_start3A_45 = arith.constant 0 : i32
      %dma_start3A_46 = tpu.memref_slice %arg6[%mul3A_43, %dma_start3A_45] : memref<125x80xi32, #tpu.memory_space<vmem>> -> memref<25x80xi32, #tpu.memory_space<vmem>>
      %dma_start3A_47 = arith.constant 0 : i32
      %dma_start3A_48 = arith.constant 0 : i32
      %dma_start3A_49 = tpu.memref_slice %arg2[%dma_start3A_44, %add3A, %scan3A_27, %dma_start3A_47, %dma_start3A_48] : memref<2x32x5x25x80xi32, #tpu.memory_space<hbm>> -> memref<1x1x1x25x80xi32, #tpu.memory_space<hbm>>
      %dma_start3A_50 = tpu.memref_squeeze %dma_start3A_49 : memref<1x1x1x25x80xi32, #tpu.memory_space<hbm>> -> memref<25x80xi32, #tpu.memory_space<hbm>>
      %dma_start3A_51 = arith.constant 0 : i32
      %dma_start3A_52 = tpu.memref_slice %arg6[%mul3A_43, %dma_start3A_51] : memref<125x80xi32, #tpu.memory_space<vmem>> -> memref<25x80xi32, #tpu.memory_space<vmem>>
      %dma_start3A_53 = arith.constant 0 : i32
      %dma_start3A_54 = arith.constant 0 : i32
      %dma_start3A_55 = tpu.memref_slice %arg2[%dma_start3A_44, %add3A, %scan3A_27, %dma_start3A_53, %dma_start3A_54] : memref<2x32x5x25x80xi32, #tpu.memory_space<hbm>> -> memref<1x1x1x25x80xi32, #tpu.memory_space<hbm>>
      %dma_start3A_56 = tpu.memref_squeeze %dma_start3A_55 : memref<1x1x1x25x80xi32, #tpu.memory_space<hbm>> -> memref<25x80xi32, #tpu.memory_space<hbm>>
      tpu.enqueue_dma source(%dma_start3A_56 : memref<25x80xi32, #tpu.memory_space<hbm>>) target(%dma_start3A_52 : memref<25x80xi32, #tpu.memory_space<vmem>>) target_semaphore(%arg9 : memref<!tpu.dma_semaphore, #tpu.memory_space<semaphore_mem>>)
    }
    %scan3A_5 = arith.constant 5 : i32
    %broadcast_in_dim3A = arith.constant 0.000000e+00 : f32
    %broadcast_in_dim3A_6 = vector.broadcast %broadcast_in_dim3A : f32 to vector<16xf32>
    %scan3A_7 = arith.constant 0 : i32
    %scan3A_8 = arith.constant 0 : i32
    %scan3A_9 = arith.constant 640 : i32
    %scan3A_10 = arith.addi %scan3A_8, %scan3A_9 : i32
    %scan3A_11 = arith.constant 1 : i32
    scf.for %scan3A_27 = %scan3A_8 to %scan3A_10 step %scan3A_11  : i32 {
      %mul3A_28 = arith.constant 16 : i32
      %mul3A_29 = arith.muli %scan3A_27, %mul3A_28 : i32
      %swap3A = arith.index_cast %mul3A_29 : i32 to index
      %swap3A_30 = tpu.vector_load %arg7[%swap3A] {strides = array<i32>} : memref<10240xf32, #tpu.memory_space<vmem>>, vector<16xf32>,
      tpu.vector_store %arg7[%swap3A], %broadcast_in_dim3A_6 {strides = array<i32>} : memref<10240xf32, #tpu.memory_space<vmem>>, vector<16xf32>,
      %mul3A_31 = arith.constant 16 : i32
      %mul3A_32 = arith.muli %scan3A_27, %mul3A_31 : i32
      %swap3A_33 = arith.index_cast %mul3A_32 : i32 to index
      %swap3A_34 = tpu.vector_load %arg8[%swap3A_33] {strides = array<i32>} : memref<10240xf32, #tpu.memory_space<vmem>>, vector<16xf32>,
      tpu.vector_store %arg8[%swap3A_33], %broadcast_in_dim3A_6 {strides = array<i32>} : memref<10240xf32, #tpu.memory_space<vmem>>, vector<16xf32>,
    }
    %scan3A_12 = arith.constant 640 : i32
    %scan3A_13 = arith.constant 0 : i32
    %scan3A_14 = arith.constant 0 : i32
    %scan3A_15 = arith.constant 5 : i32
    %scan3A_16 = arith.addi %scan3A_14, %scan3A_15 : i32
    %scan3A_17 = arith.constant 1 : i32
    scf.for %scan3A_27 = %scan3A_14 to %scan3A_16 step %scan3A_17  : i32 {
      %mul3A_28 = arith.constant 25 : i32
      %mul3A_29 = arith.muli %scan3A_27, %mul3A_28 : i32
      %dma_wait3A = arith.constant 0 : i32
      %dma_wait3A_30 = arith.constant 0 : i32
      %dma_wait3A_31 = tpu.memref_slice %arg5[%mul3A_29, %dma_wait3A_30] : memref<125x80xi32, #tpu.memory_space<vmem>> -> memref<25x80xi32, #tpu.memory_space<vmem>>
      %dma_wait3A_32 = arith.constant 0 : i32
      %dma_wait3A_33 = arith.constant 0 : i32
      %dma_wait3A_34 = tpu.memref_slice %arg2[%dma_wait3A, %add3A, %scan3A_27, %dma_wait3A_32, %dma_wait3A_33] : memref<2x32x5x25x80xi32, #tpu.memory_space<hbm>> -> memref<1x1x1x25x80xi32, #tpu.memory_space<hbm>>
      %dma_wait3A_35 = tpu.memref_squeeze %dma_wait3A_34 : memref<1x1x1x25x80xi32, #tpu.memory_space<hbm>> -> memref<25x80xi32, #tpu.memory_space<hbm>>
      %dma_wait3A_36 = arith.constant 0 : i32
      %dma_wait3A_37 = tpu.memref_slice %arg5[%mul3A_29, %dma_wait3A_36] : memref<125x80xi32, #tpu.memory_space<vmem>> -> memref<25x80xi32, #tpu.memory_space<vmem>>
      %dma_wait3A_38 = arith.constant 0 : i32
      %dma_wait3A_39 = arith.constant 0 : i32
      %dma_wait3A_40 = tpu.memref_slice %arg2[%dma_wait3A, %add3A, %scan3A_27, %dma_wait3A_38, %dma_wait3A_39] : memref<2x32x5x25x80xi32, #tpu.memory_space<hbm>> -> memref<1x1x1x25x80xi32, #tpu.memory_space<hbm>>
      %dma_wait3A_41 = tpu.memref_squeeze %dma_wait3A_40 : memref<1x1x1x25x80xi32, #tpu.memory_space<hbm>> -> memref<25x80xi32, #tpu.memory_space<hbm>>
      tpu.wait_dma2 semaphore(%arg9 : memref<!tpu.dma_semaphore, #tpu.memory_space<semaphore_mem>>) src(%dma_wait3A_41 : memref<25x80xi32, #tpu.memory_space<hbm>>) dst(%dma_wait3A_37 : memref<25x80xi32, #tpu.memory_space<vmem>>)
      %mul3A_42 = arith.constant 25 : i32
      %mul3A_43 = arith.muli %scan3A_27, %mul3A_42 : i32
      %dma_wait3A_44 = arith.constant 1 : i32
      %dma_wait3A_45 = arith.constant 0 : i32
      %dma_wait3A_46 = tpu.memref_slice %arg6[%mul3A_43, %dma_wait3A_45] : memref<125x80xi32, #tpu.memory_space<vmem>> -> memref<25x80xi32, #tpu.memory_space<vmem>>
      %dma_wait3A_47 = arith.constant 0 : i32
      %dma_wait3A_48 = arith.constant 0 : i32
      %dma_wait3A_49 = tpu.memref_slice %arg2[%dma_wait3A_44, %add3A, %scan3A_27, %dma_wait3A_47, %dma_wait3A_48] : memref<2x32x5x25x80xi32, #tpu.memory_space<hbm>> -> memref<1x1x1x25x80xi32, #tpu.memory_space<hbm>>
      %dma_wait3A_50 = tpu.memref_squeeze %dma_wait3A_49 : memref<1x1x1x25x80xi32, #tpu.memory_space<hbm>> -> memref<25x80xi32, #tpu.memory_space<hbm>>
      %dma_wait3A_51 = arith.constant 0 : i32
      %dma_wait3A_52 = tpu.memref_slice %arg6[%mul3A_43, %dma_wait3A_51] : memref<125x80xi32, #tpu.memory_space<vmem>> -> memref<25x80xi32, #tpu.memory_space<vmem>>
      %dma_wait3A_53 = arith.constant 0 : i32
      %dma_wait3A_54 = arith.constant 0 : i32
      %dma_wait3A_55 = tpu.memref_slice %arg2[%dma_wait3A_44, %add3A, %scan3A_27, %dma_wait3A_53, %dma_wait3A_54] : memref<2x32x5x25x80xi32, #tpu.memory_space<hbm>> -> memref<1x1x1x25x80xi32, #tpu.memory_space<hbm>>
      %dma_wait3A_56 = tpu.memref_squeeze %dma_wait3A_55 : memref<1x1x1x25x80xi32, #tpu.memory_space<hbm>> -> memref<25x80xi32, #tpu.memory_space<hbm>>
      tpu.wait_dma2 semaphore(%arg9 : memref<!tpu.dma_semaphore, #tpu.memory_space<semaphore_mem>>) src(%dma_wait3A_56 : memref<25x80xi32, #tpu.memory_space<hbm>>) dst(%dma_wait3A_52 : memref<25x80xi32, #tpu.memory_space<vmem>>)
    }
    %scan3A_18 = arith.constant 5 : i32
    %broadcast_in_dim3A_19 = arith.constant 1.000000e+00 : f32
    %broadcast_in_dim3A_20 = vector.broadcast %broadcast_in_dim3A_19 : f32 to vector<16xf32>
    %scan3A_21 = arith.constant 0 : i32
    %scan3A_22 = arith.constant 0 : i32
    %scan3A_23 = arith.constant 625 : i32
    %scan3A_24 = arith.addi %scan3A_22, %scan3A_23 : i32
    %scan3A_25 = arith.constant 1 : i32
    scf.for %scan3A_27 = %scan3A_22 to %scan3A_24 step %scan3A_25  : i32 {
      %jit3A = arith.constant 5 : i32
      %div3A = arith.divsi %scan3A_27, %jit3A : i32
      %sign3A = arith.constant 0 : i32
      %sign3A_28 = arith.cmpi sgt, %scan3A_27, %sign3A : i32
      %sign3A_29 = arith.extui %sign3A_28 : i1 to i32
      %sign3A_30 = arith.constant 0 : i32
      %sign3A_31 = arith.cmpi slt, %scan3A_27, %sign3A_30 : i32
      %sign3A_32 = arith.extui %sign3A_31 : i1 to i32
      %sign3A_33 = arith.subi %sign3A_29, %sign3A_32 : i32
      %sign3A_34 = arith.constant 0 : i32
      %sign3A_35 = arith.cmpi sgt, %jit3A, %sign3A_34 : i32
      %sign3A_36 = arith.extui %sign3A_35 : i1 to i32
      %sign3A_37 = arith.constant 0 : i32
      %sign3A_38 = arith.cmpi slt, %jit3A, %sign3A_37 : i32
      %sign3A_39 = arith.extui %sign3A_38 : i1 to i32
      %sign3A_40 = arith.subi %sign3A_36, %sign3A_39 : i32
      %ne3A = arith.cmpi ne, %sign3A_33, %sign3A_40 : i32
      %rem3A = arith.remsi %scan3A_27, %jit3A : i32
      %ne3A_41 = arith.constant 0 : i32
      %ne3A_42 = arith.cmpi ne, %rem3A, %ne3A_41 : i32
      %and3A = arith.andi %ne3A, %ne3A_42 : i1
      %sub3A = arith.constant 1 : i32
      %sub3A_43 = arith.subi %div3A, %sub3A : i32
      %select_n3A = arith.select %and3A, %sub3A_43, %div3A : i32
      %jit3A_44 = arith.constant 5 : i32
      %eq3A = arith.constant 0 : i32
      %eq3A_45 = arith.cmpi eq, %jit3A_44, %eq3A : i32
      %jit3A_46 = arith.constant 1 : i32
      %select_n3A_47 = arith.select %eq3A_45, %jit3A_46, %jit3A_44 : i32
      %rem3A_48 = arith.remsi %scan3A_27, %select_n3A_47 : i32
      %ne3A_49 = arith.constant 0 : i32
      %ne3A_50 = arith.cmpi ne, %rem3A_48, %ne3A_49 : i32
      %lt3A = arith.constant 0 : i32
      %lt3A_51 = arith.cmpi slt, %rem3A_48, %lt3A : i32
      %lt3A_52 = arith.constant 0 : i32
      %lt3A_53 = arith.cmpi slt, %select_n3A_47, %lt3A_52 : i32
      %ne3A_54 = arith.xori %lt3A_51, %lt3A_53 : i1
      %and3A_55 = arith.andi %ne3A_54, %ne3A_50 : i1
      %add3A_56 = arith.addi %rem3A_48, %select_n3A_47 : i32
      %select_n3A_57 = arith.select %and3A_55, %add3A_56, %rem3A_48 : i32
      %mul3A_58 = arith.constant 16 : i32
      %mul3A_59 = arith.muli %select_n3A_57, %mul3A_58 : i32
      %get3A = arith.index_cast %select_n3A : i32 to index
      %get3A_60 = arith.index_cast %mul3A_59 : i32 to index
      %get3A_61 = tpu.vector_load %arg5[%get3A, %get3A_60] {strides = array<i32>} : memref<125x80xi32, #tpu.memory_space<vmem>>, vector<16xi32>,
      %get3A_62 = arith.index_cast %select_n3A : i32 to index
      %get3A_63 = arith.index_cast %mul3A_59 : i32 to index
      %get3A_64 = tpu.vector_load %arg6[%get3A_62, %get3A_63] {strides = array<i32>} : memref<125x80xi32, #tpu.memory_space<vmem>>, vector<16xi32>,
      tpu.vector_store_idx %arg7[%get3A_61], %broadcast_in_dim3A_20 {add = true} : memref<10240xf32, #tpu.memory_space<vmem>>[vector<16xi32>], vector<16xf32>,
      tpu.vector_store_idx %arg8[%get3A_64], %broadcast_in_dim3A_20 {add = true} : memref<10240xf32, #tpu.memory_space<vmem>>[vector<16xi32>], vector<16xf32>,
    }
    %scan3A_26 = arith.constant 625 : i32
    "tpu.region"() ({
      %run_scoped3A = tpu.sem_alloc : memref<!tpu.dma_semaphore, #tpu.memory_space<semaphore_mem>>
      %dma_start3A = arith.constant 0 : i32
      %dma_start3A_27 = tpu.memref_slice %arg3[%add3A, %dma_start3A] : memref<32x10240xf32, #tpu.memory_space<hbm>> -> memref<1x10240xf32, #tpu.memory_space<hbm>>
      %dma_start3A_28 = tpu.memref_squeeze %dma_start3A_27 : memref<1x10240xf32, #tpu.memory_space<hbm>> -> memref<10240xf32, #tpu.memory_space<hbm>>
      %dma_start3A_29 = arith.constant 0 : i32
      %dma_start3A_30 = tpu.memref_slice %arg3[%add3A, %dma_start3A_29] : memref<32x10240xf32, #tpu.memory_space<hbm>> -> memref<1x10240xf32, #tpu.memory_space<hbm>>
      %dma_start3A_31 = tpu.memref_squeeze %dma_start3A_30 : memref<1x10240xf32, #tpu.memory_space<hbm>> -> memref<10240xf32, #tpu.memory_space<hbm>>
      tpu.enqueue_dma source(%arg7 : memref<10240xf32, #tpu.memory_space<vmem>>) target(%dma_start3A_31 : memref<10240xf32, #tpu.memory_space<hbm>>) target_semaphore(%run_scoped3A : memref<!tpu.dma_semaphore, #tpu.memory_space<semaphore_mem>>)
      %dma_wait3A = arith.constant 0 : i32
      %dma_wait3A_32 = tpu.memref_slice %arg3[%add3A, %dma_wait3A] : memref<32x10240xf32, #tpu.memory_space<hbm>> -> memref<1x10240xf32, #tpu.memory_space<hbm>>
      %dma_wait3A_33 = tpu.memref_squeeze %dma_wait3A_32 : memref<1x10240xf32, #tpu.memory_space<hbm>> -> memref<10240xf32, #tpu.memory_space<hbm>>
      %dma_wait3A_34 = arith.constant 0 : i32
      %dma_wait3A_35 = tpu.memref_slice %arg3[%add3A, %dma_wait3A_34] : memref<32x10240xf32, #tpu.memory_space<hbm>> -> memref<1x10240xf32, #tpu.memory_space<hbm>>
      %dma_wait3A_36 = tpu.memref_squeeze %dma_wait3A_35 : memref<1x10240xf32, #tpu.memory_space<hbm>> -> memref<10240xf32, #tpu.memory_space<hbm>>
      tpu.wait_dma2 semaphore(%run_scoped3A : memref<!tpu.dma_semaphore, #tpu.memory_space<semaphore_mem>>) src(%arg7 : memref<10240xf32, #tpu.memory_space<vmem>>) dst(%dma_wait3A_36 : memref<10240xf32, #tpu.memory_space<hbm>>)
      tpu.yield
    }) : () -> ()
    "tpu.region"() ({
      %run_scoped3A = tpu.sem_alloc : memref<!tpu.dma_semaphore, #tpu.memory_space<semaphore_mem>>
      %dma_start3A = arith.constant 0 : i32
      %dma_start3A_27 = tpu.memref_slice %arg4[%add3A, %dma_start3A] : memref<32x10240xf32, #tpu.memory_space<hbm>> -> memref<1x10240xf32, #tpu.memory_space<hbm>>
      %dma_start3A_28 = tpu.memref_squeeze %dma_start3A_27 : memref<1x10240xf32, #tpu.memory_space<hbm>> -> memref<10240xf32, #tpu.memory_space<hbm>>
      %dma_start3A_29 = arith.constant 0 : i32
      %dma_start3A_30 = tpu.memref_slice %arg4[%add3A, %dma_start3A_29] : memref<32x10240xf32, #tpu.memory_space<hbm>> -> memref<1x10240xf32, #tpu.memory_space<hbm>>
      %dma_start3A_31 = tpu.memref_squeeze %dma_start3A_30 : memref<1x10240xf32, #tpu.memory_space<hbm>> -> memref<10240xf32, #tpu.memory_space<hbm>>
      tpu.enqueue_dma source(%arg8 : memref<10240xf32, #tpu.memory_space<vmem>>) target(%dma_start3A_31 : memref<10240xf32, #tpu.memory_space<hbm>>) target_semaphore(%run_scoped3A : memref<!tpu.dma_semaphore, #tpu.memory_space<semaphore_mem>>)
      %dma_wait3A = arith.constant 0 : i32
      %dma_wait3A_32 = tpu.memref_slice %arg4[%add3A, %dma_wait3A] : memref<32x10240xf32, #tpu.memory_space<hbm>> -> memref<1x10240xf32, #tpu.memory_space<hbm>>
      %dma_wait3A_33 = tpu.memref_squeeze %dma_wait3A_32 : memref<1x10240xf32, #tpu.memory_space<hbm>> -> memref<10240xf32, #tpu.memory_space<hbm>>
      %dma_wait3A_34 = arith.constant 0 : i32
      %dma_wait3A_35 = tpu.memref_slice %arg4[%add3A, %dma_wait3A_34] : memref<32x10240xf32, #tpu.memory_space<hbm>> -> memref<1x10240xf32, #tpu.memory_space<hbm>>
      %dma_wait3A_36 = tpu.memref_squeeze %dma_wait3A_35 : memref<1x10240xf32, #tpu.memory_space<hbm>> -> memref<10240xf32, #tpu.memory_space<hbm>>
      tpu.wait_dma2 semaphore(%run_scoped3A : memref<!tpu.dma_semaphore, #tpu.memory_space<semaphore_mem>>) src(%arg8 : memref<10240xf32, #tpu.memory_space<vmem>>) dst(%dma_wait3A_36 : memref<10240xf32, #tpu.memory_space<hbm>>)
      tpu.yield
    }) : () -> ()
    return
  }
}

module attributes {stable_mosaic.version = 14 : i64} {
  func.func @_scales_body(%arg0: memref<32x80x128xf32, #tpu.memory_space<vmem>>, %arg1: memref<32x80x128xf32, #tpu.memory_space<vmem>>, %arg2: memref<80x128xf32, #tpu.memory_space<vmem>>, %arg3: memref<80x128xf32, #tpu.memory_space<vmem>>) attributes {dimension_semantics = [], scalar_prefetch = 0 : i64, scratch_operands = 0 : i64, tpu.core_type = #tpu.core_type<tc>} {
    %get3A = arith.constant 0 : index
    %get3A_0 = arith.constant 0 : index
    %get3A_1 = arith.constant 0 : index
    %get3A_2 = vector.load %arg0[%get3A, %get3A_0, %get3A_1] : memref<32x80x128xf32, #tpu.memory_space<vmem>>, vector<32x80x128xf32>
    %reduce_sum3A = arith.constant dense<0.000000e+00> : vector<80x128xf32>
    %reduce_sum3A_3 = vector.multi_reduction <add>, %get3A_2, %reduce_sum3A [0] : vector<32x80x128xf32> to vector<80x128xf32>
    %max3A = arith.constant 1.000000e+00 : f32
    %max3A_4 = vector.broadcast %max3A : f32 to vector<80x128xf32>
    %max3A_5 = arith.maximumf %reduce_sum3A_3, %max3A_4 : vector<80x128xf32>
    %rsqrt3A = math.rsqrt %max3A_5 : vector<80x128xf32>
    %swap3A = arith.constant 0 : index
    %swap3A_6 = arith.constant 0 : index
    %swap3A_7 = vector.load %arg2[%swap3A, %swap3A_6] : memref<80x128xf32, #tpu.memory_space<vmem>>, vector<80x128xf32>
    tpu.vector_store %arg2[%swap3A, %swap3A_6], %rsqrt3A {strides = array<i32>} : memref<80x128xf32, #tpu.memory_space<vmem>>, vector<80x128xf32>,
    %get3A_8 = arith.constant 0 : index
    %get3A_9 = arith.constant 0 : index
    %get3A_10 = arith.constant 0 : index
    %get3A_11 = vector.load %arg1[%get3A_8, %get3A_9, %get3A_10] : memref<32x80x128xf32, #tpu.memory_space<vmem>>, vector<32x80x128xf32>
    %reduce_sum3A_12 = arith.constant dense<0.000000e+00> : vector<80x128xf32>
    %reduce_sum3A_13 = vector.multi_reduction <add>, %get3A_11, %reduce_sum3A_12 [0] : vector<32x80x128xf32> to vector<80x128xf32>
    %max3A_14 = arith.constant 1.000000e+00 : f32
    %max3A_15 = vector.broadcast %max3A_14 : f32 to vector<80x128xf32>
    %max3A_16 = arith.maximumf %reduce_sum3A_13, %max3A_15 : vector<80x128xf32>
    %rsqrt3A_17 = math.rsqrt %max3A_16 : vector<80x128xf32>
    %swap3A_18 = arith.constant 0 : index
    %swap3A_19 = arith.constant 0 : index
    %swap3A_20 = vector.load %arg3[%swap3A_18, %swap3A_19] : memref<80x128xf32, #tpu.memory_space<vmem>>, vector<80x128xf32>
    tpu.vector_store %arg3[%swap3A_18, %swap3A_19], %rsqrt3A_17 {strides = array<i32>} : memref<80x128xf32, #tpu.memory_space<vmem>>, vector<80x128xf32>,
    return
  }
}

module attributes {stable_mosaic.version = 14 : i64} {
  func.func @_scale_body(%arg0: i32, %arg1: memref<2048x1xf32, #tpu.memory_space<vmem>>, %arg2: memref<2048x128xf32, #tpu.memory_space<vmem>>, %arg3: memref<2048x128xf32, #tpu.memory_space<vmem>>) attributes {dimension_semantics = [#tpu.dimension_semantics<arbitrary>], iteration_bounds = array<i64: 5>, scalar_prefetch = 0 : i64, scratch_operands = 0 : i64, tpu.core_type = #tpu.core_type<tc>, window_params = [{transform_indices = @transform_0, window_bounds = array<i64: 2048, 1>}, {transform_indices = @transform_1, window_bounds = array<i64: 2048, 128>}, {transform_indices = @transform_2, window_bounds = array<i64: 2048, 128>}]} {
    %get3A = arith.constant 0 : index
    %get3A_0 = arith.constant 0 : index
    %get3A_1 = vector.load %arg2[%get3A, %get3A_0] : memref<2048x128xf32, #tpu.memory_space<vmem>>, vector<2048x128xf32>
    %get3A_2 = arith.constant 0 : index
    %get3A_3 = arith.constant 0 : index
    %get3A_4 = vector.load %arg1[%get3A_2, %get3A_3] : memref<2048x1xf32, #tpu.memory_space<vmem>>, vector<2048x1xf32>
    %mul3A = vector.broadcast %get3A_4 : vector<2048x1xf32> to vector<2048x128xf32>
    %mul3A_5 = arith.mulf %get3A_1, %mul3A : vector<2048x128xf32>
    %swap3A = arith.constant 0 : index
    %swap3A_6 = arith.constant 0 : index
    %swap3A_7 = vector.load %arg3[%swap3A, %swap3A_6] : memref<2048x128xf32, #tpu.memory_space<vmem>>, vector<2048x128xf32>
    tpu.vector_store %arg3[%swap3A, %swap3A_6], %mul3A_5 {strides = array<i32>} : memref<2048x128xf32, #tpu.memory_space<vmem>>, vector<2048x128xf32>,
    return
  }
  func.func @transform_0(%arg0: i32) -> (i32, i32) {
    %c0_i32 = arith.constant 0 : i32
    %c0_i32_0 = arith.constant 0 : i32
    return %arg0, %c0_i32 : i32, i32
  }
  func.func @transform_1(%arg0: i32) -> (i32, i32) {
    %c0_i32 = arith.constant 0 : i32
    %c0_i32_0 = arith.constant 0 : i32
    return %arg0, %c0_i32 : i32, i32
  }
  func.func @transform_2(%arg0: i32) -> (i32, i32) {
    %c0_i32 = arith.constant 0 : i32
    %c0_i32_0 = arith.constant 0 : i32
    return %arg0, %c0_i32 : i32, i32
  }
}

module attributes {stable_mosaic.version = 14 : i64} {
  func.func @_final_body(%arg0: i32, %arg1: memref<2x2048x128xf32, #tpu.memory_space<vmem>>, %arg2: memref<2048x1xf32, #tpu.memory_space<vmem>>, %arg3: memref<128x128xf32, #tpu.memory_space<vmem>>, %arg4: memref<1x128xf32, #tpu.memory_space<vmem>>, %arg5: memref<2048x128xf32, #tpu.memory_space<vmem>>) attributes {dimension_semantics = [#tpu.dimension_semantics<arbitrary>], iteration_bounds = array<i64: 5>, scalar_prefetch = 0 : i64, scratch_operands = 0 : i64, tpu.core_type = #tpu.core_type<tc>, window_params = [{transform_indices = @transform_0, window_bounds = array<i64: 2, 2048, 128>}, {transform_indices = @transform_1, window_bounds = array<i64: 2048, 1>}, {pipeline_mode = #tpu.pipeline_mode<synchronous>, transform_indices = @transform_2, window_bounds = array<i64: 128, 128>}, {pipeline_mode = #tpu.pipeline_mode<synchronous>, transform_indices = @transform_3, window_bounds = array<i64: 1, 128>}, {transform_indices = @transform_4, window_bounds = array<i64: 2048, 128>}]} {
    %get3A = arith.constant 0 : index
    %get3A_0 = arith.constant 0 : index
    %get3A_1 = arith.constant 0 : index
    %get3A_2 = vector.load %arg1[%get3A, %get3A_0, %get3A_1] : memref<2x2048x128xf32, #tpu.memory_space<vmem>>, vector<1x2048x128xf32>
    %get3A_3 = vector.shape_cast %get3A_2 : vector<1x2048x128xf32> to vector<2048x128xf32>
    %get3A_4 = arith.constant 1 : index
    %get3A_5 = arith.constant 0 : index
    %get3A_6 = arith.constant 0 : index
    %get3A_7 = vector.load %arg1[%get3A_4, %get3A_5, %get3A_6] : memref<2x2048x128xf32, #tpu.memory_space<vmem>>, vector<1x2048x128xf32>
    %get3A_8 = vector.shape_cast %get3A_7 : vector<1x2048x128xf32> to vector<2048x128xf32>
    %add3A = arith.addf %get3A_3, %get3A_8 : vector<2048x128xf32>
    %get3A_9 = arith.constant 0 : index
    %get3A_10 = arith.constant 0 : index
    %get3A_11 = vector.load %arg2[%get3A_9, %get3A_10] : memref<2048x1xf32, #tpu.memory_space<vmem>>, vector<2048x1xf32>
    %mul3A = vector.broadcast %get3A_11 : vector<2048x1xf32> to vector<2048x128xf32>
    %mul3A_12 = arith.mulf %add3A, %mul3A : vector<2048x128xf32>
    %get3A_13 = arith.constant 0 : index
    %get3A_14 = arith.constant 0 : index
    %get3A_15 = vector.load %arg3[%get3A_13, %get3A_14] : memref<128x128xf32, #tpu.memory_space<vmem>>, vector<128x128xf32>
    %dot_general3A = arith.constant dense<0.000000e+00> : vector<2048x128xf32>
    %dot_general3A_16 = tpu.matmul %mul3A_12, %get3A_15, %dot_general3A {dimension_numbers = #tpu.dot_dimension_numbers<[1], [0], [0], [1], [0, 0, 1, 1], [], []>, transpose_lhs_hint = false} : vector<2048x128xf32>, vector<128x128xf32>, vector<2048x128xf32> -> vector<2048x128xf32>
    %get3A_17 = arith.constant 0 : index
    %get3A_18 = arith.constant 0 : index
    %get3A_19 = vector.load %arg4[%get3A_17, %get3A_18] : memref<1x128xf32, #tpu.memory_space<vmem>>, vector<1x128xf32>
    %add3A_20 = vector.broadcast %get3A_19 : vector<1x128xf32> to vector<2048x128xf32>
    %add3A_21 = arith.addf %dot_general3A_16, %add3A_20 : vector<2048x128xf32>
    %max3A = arith.constant 0.000000e+00 : f32
    %max3A_22 = vector.broadcast %max3A : f32 to vector<2048x128xf32>
    %max3A_23 = arith.maximumf %add3A_21, %max3A_22 : vector<2048x128xf32>
    %swap3A = arith.constant 0 : index
    %swap3A_24 = arith.constant 0 : index
    %swap3A_25 = vector.load %arg5[%swap3A, %swap3A_24] : memref<2048x128xf32, #tpu.memory_space<vmem>>, vector<2048x128xf32>
    tpu.vector_store %arg5[%swap3A, %swap3A_24], %max3A_23 {strides = array<i32>} : memref<2048x128xf32, #tpu.memory_space<vmem>>, vector<2048x128xf32>,
    return
  }
  func.func @transform_0(%arg0: i32) -> (i32, i32, i32) {
    %c0_i32 = arith.constant 0 : i32
    %c0_i32_0 = arith.constant 0 : i32
    %c0_i32_1 = arith.constant 0 : i32
    return %c0_i32, %arg0, %c0_i32_0 : i32, i32, i32
  }
  func.func @transform_1(%arg0: i32) -> (i32, i32) {
    %c0_i32 = arith.constant 0 : i32
    %c0_i32_0 = arith.constant 0 : i32
    return %arg0, %c0_i32 : i32, i32
  }
  func.func @transform_2(%arg0: i32) -> (i32, i32) {
    %c0_i32 = arith.constant 0 : i32
    %c0_i32_0 = arith.constant 0 : i32
    %c0_i32_1 = arith.constant 0 : i32
    return %c0_i32, %c0_i32_0 : i32, i32
  }
  func.func @transform_3(%arg0: i32) -> (i32, i32) {
    %c0_i32 = arith.constant 0 : i32
    %c0_i32_0 = arith.constant 0 : i32
    %c0_i32_1 = arith.constant 0 : i32
    return %c0_i32, %c0_i32_0 : i32, i32
  }
  func.func @transform_4(%arg0: i32) -> (i32, i32) {
    %c0_i32 = arith.constant 0 : i32
    %c0_i32_0 = arith.constant 0 : i32
    return %arg0, %c0_i32 : i32, i32
  }
}

</mosaic_0001>

<sc_bundles>
// kernel: kernel.10.cloned.1.call-start
scs
__scs_entry_jumppad:
0x0: {  	(pc) =	sbr.rel $0x88, $3  }
0x1: {  	(tag) =	ssettag $0x0;
	lr =	simm.s32 $0x1  }
0x2: {  	[smem:$0x3F9D] =	sst lr;
	_ =	strace $0xD0000000  }
0x3: {  	_ = 	snop  }
0x4: {  	_ = 	snop  }
0x5: {  	_ = 	snop  }
0x6: {  	_ = 	snop  }
0x7: {  	_ = 	snop  }
__scs_overlays_trampoline_lowered:
0x8: {  	[smem:$0x3FAC] =	sst s0  }
0x9: {  	[smem:$0x3FAD] =	sst s1  }
0xa: {  	[smem:$0x3FAE] =	sst s2  }
0xb: {  	[smem:$0x3FAF] =	sst s3  }
0xc: {  	[smem:$0x3FB0] =	sst s4  }
0xd: {  	[smem:$0x3FB1] =	sst s5  }
0xe: {  	[smem:$0x3FB2] =	sst s6  }
0xf: {  	[smem:$0x3FB3] =	sst s7  }
0x10: {  	[smem:$0x3FB4] =	sst s8  }
0x11: {  	[smem:$0x3FB5] =	sst s9;
	s0 =	simm.s32 @!p0 $0x0  }
0x12: {  	s1 =	sld [smem:$0x3F9B];
	s0 =	simm.s32 @p0 $0x1  }
0x13: {  	[smem:$0x3FB6] =	sst s0;
	s0 =	simm.s32 @!p1 $0x0  }
0x14: {  	s2 =	sld [smem:$0x3F9A];
	s0 =	simm.s32 @p1 $0x1  }
0x15: {  	[smem:$0x3FB7] =	sst s0;
	s0 =	simm.s32 @!p2 $0x0  }
0x16: {  	s3 =	sld [smem:$0x3FDB];
	s0 =	simm.s32 @p2 $0x1  }
0x17: {  	s4 =	simm.s32 $0x1BF5;
	[smem:$0x3FB9] =	sst s0  }
0x18: {  	s0 =	sld [smem:$0x3F9C];
	_ =	swait.ge [sflag:s4], $0x0  }
0x19: {  	s7 =	sld [smem:$0x3F9D]  }
0x1a: {  	s8 =	sadd.s32 $0xFFFFE003, lr  }
0x1b: {  	s9 =	sadd.s32 $0xFFFFFEF7, lr;
	s5 =	simm.s32 $0xFFFFFFFF;
	p2 =	slt.u32 s8, $0xFFFFF086  }
0x1c: {  	p1 =	slt.u32 s9, $0xF7A;
	s5 =	simm.s32 @!p2 $0x0  }
0x1d: {  	s5 =	simm.s32 @p1 $0x1;
	p0 =	seq.s32 s7, s2  }
0x1e: {  	s7 =	smul.u32 @!p0 $0xF7A, s2;
	p2 =	seq.s32 @!p0 s5, $0x0  }
0x1f: {  	s9 =	smul.u32 $0xF7A, s1;
	s8 =	simm.s32 @!p0 $0x1BF5;
	p2 =	por !p2, p0  }
0x20: {  	[sflag:s8] =	ssyncset.s32 @!p0 $0xFFFFF086;
	s6 =	sadd.s32 @!p0 s3, s7;
	s7 =	simm.s32 @!p0 $0x108  }
0x21: {  	s3 =	sadd.s32 s3, s9;
	s6 =	sadd.s32 @!p0 $0x88, s6;
	s7 =	simm.s32 @p2 $0x1082  }
0x22: {  	[simem:s7], [sflag:s8] =	dma.local @!p0 [hbm:s6], $0xF7A  }
0x23: {  	s9 =	sor.u32 $0xD0000000, s2;
	s6 =	simm.s32 $0x108;
	_ =	swait.ge @!p0 [sflag:s8], $0x0  }
0x24: {  	s3 =	sadd.s32 $0x88, s3;
	s6 =	simm.s32 @!p1 $0x1082;
	[sflag:s4] =	ssyncset.s32 $0xFFFFF086  }
0x25: {  	[simem:s6], [sflag:s4] =	dma.local [hbm:s3], $0xF7A  }
0x26: {  	[smem:$0x3F9D] =	sst s1;
	(tag) =	ssettag s2;
	_ =	strace s9  }
0x27: {  	s1 =	sld [smem:$0x3FAD]  }
0x28: {  	s2 =	sld [smem:$0x3FAE]  }
0x29: {  	s4 =	sld [smem:$0x3FB0]  }
0x2a: {  	p0 =	seq.s32 s5, $0x0;
	s5 =	sld [smem:$0x3FB1]  }
0x2b: {  	s6 =	sld [smem:$0x3FB2]  }
0x2c: {  	s7 =	sld [smem:$0x3FB3]  }
0x2d: {  	s3 =	simm.s32 $0x108;
	s8 =	sld [smem:$0x3FB4]  }
0x2e: {  	s3 =	simm.s32 @!p0 $0x1082;
	s9 =	sld [smem:$0x3FB5]  }
0x2f: {  	lr =	sadd.s32 s0, s3;
	s0 =	sld [smem:$0x3FAC]  }
0x30: {  	s3 =	sld [smem:$0x3FAF]  }
0x31: {  	[smem:$0x3FB8] =	sst s10  }
0x32: {  	s10 =	sld [smem:$0x3FB6];
	_ =	sdelay $0x3  }
0x33: {  	p0 =	seq.s32 s10, $0x1;
	s10 =	sld [smem:$0x3FB8];
	_ =	sdelay $0x3  }
0x34: {  	[smem:$0x3FB8] =	sst s10  }
0x35: {  	s10 =	sld [smem:$0x3FB7];
	_ =	sdelay $0x3  }
0x36: {  	p1 =	seq.s32 s10, $0x1;
	s10 =	sld [smem:$0x3FB8];
	_ =	sdelay $0x3  }
0x37: {  	[smem:$0x3FB8] =	sst s10  }
0x38: {  	s10 =	sld [smem:$0x3FB9]  }
0x39: {  	_ = 	snop;
	(pc) =	sbr.ind lr, $3  }
0x3a: {  	_ = 	snop  }
0x3b: {  	_ = 	snop  }
0x3c: {  	p2 =	seq.s32 s10, $0x1;
	s10 =	sld [smem:$0x3FB8]  }
0x3d: {  	_ =	shalt  }
0x3e: {  	_ =	shalt  }
0x3f: {  	_ =	shalt  }
0x40: {  	_ =	shalt  }
0x41: {  	_ =	shalt  }
0x42: {  	_ =	shalt  }
0x43: {  	_ =	shalt  }
0x44: {  	_ =	shalt  }
0x45: {  	_ =	shalt  }
0x46: {  	_ =	shalt  }
0x47: {  	_ =	shalt  }
0x48: {  	_ =	shalt  }
0x49: {  	_ =	shalt  }
0x4a: {  	_ =	shalt  }
0x4b: {  	_ =	shalt  }
0x4c: {  	_ =	shalt  }
0x4d: {  	_ =	shalt  }
0x4e: {  	_ =	shalt  }
0x4f: {  	_ =	shalt  }
0x50: {  	_ =	shalt  }
0x51: {  	_ =	shalt  }
0x52: {  	_ =	shalt  }
0x53: {  	_ =	shalt  }
0x54: {  	_ =	shalt  }
0x55: {  	_ =	shalt  }
0x56: {  	_ =	shalt  }
0x57: {  	_ =	shalt  }
0x58: {  	_ =	shalt  }
0x59: {  	_ =	shalt  }
0x5a: {  	_ =	shalt  }
0x5b: {  	_ =	shalt  }
0x5c: {  	_ =	shalt  }
0x5d: {  	_ =	shalt  }
0x5e: {  	_ =	shalt  }
0x5f: {  	_ =	shalt  }
0x60: {  	_ =	shalt  }
0x61: {  	_ =	shalt  }
0x62: {  	_ =	shalt  }
0x63: {  	_ =	shalt  }
0x64: {  	_ =	shalt  }
0x65: {  	_ =	shalt  }
0x66: {  	_ =	shalt  }
0x67: {  	_ =	shalt  }
0x68: {  	_ =	shalt  }
0x69: {  	_ =	shalt  }
0x6a: {  	_ =	shalt  }
0x6b: {  	_ =	shalt  }
0x6c: {  	_ =	shalt  }
0x6d: {  	_ =	shalt  }
0x6e: {  	_ =	shalt  }
0x6f: {  	_ =	shalt  }
0x70: {  	_ =	shalt  }
0x71: {  	_ =	shalt  }
0x72: {  	_ =	shalt  }
0x73: {  	_ =	shalt  }
0x74: {  	_ =	shalt  }
0x75: {  	_ =	shalt  }
0x76: {  	_ =	shalt  }
0x77: {  	_ =	shalt  }
0x78: {  	_ =	shalt  }
0x79: {  	_ =	shalt  }
0x7a: {  	_ =	shalt  }
0x7b: {  	_ =	shalt  }
0x7c: {  	_ =	shalt  }
0x7d: {  	_ =	shalt  }
0x7e: {  	_ =	shalt  }
0x7f: {  	_ =	shalt  }
0x80: {  	_ =	shalt  }
0x81: {  	_ =	shalt  }
0x82: {  	_ =	shalt  }
0x83: {  	_ =	shalt  }
0x84: {  	_ =	shalt  }
0x85: {  	_ =	shalt  }
0x86: {  	_ =	shalt  }
0x87: {  	_ =	shalt  }
.Lfunc_end0:
.L_simem_size_0:
called_computation.1_lowered:
.L_overlay_start_0:
0x88: {  	s2 =	sld [smem:$0x3FD9]  }
0x89: {  	s3 =	sld [smem:$0x3FFE];
	_ =	sdelay $0x1  }
0x8a: {  	s1 =	srdreg.scid  }
0x8b: {  	s0 =	sand.u32 $0x1, s1  }
0x8c: {  	s16 =	sshll.u32 s0, $0xA;
	s2 =	sadd.s32 s3, s2  }
0x8d: {  	s2 =	sadd.s32 s2, s16  }
0x8e: {  	[smem:$0x3FC4] =	sst s2  }
0x8f: {  	_ = 	snop  }
0x90: {  	(tm) =	ssettm $0x1  }
0x91: {  	s17 =	sld [smem:$0x3FFB];
	_ =	sdelay $0x3  }
0x92: {  	_ =	strace s17  }
0x93: {  	s2 =	sld [smem:$0x3FFC];
	_ =	sdelay $0x3  }
0x94: {  	_ =	strace s2  }
0x95: {  	s2 =	sld [smem:$0x3FFD];
	_ =	sdelay $0x3  }
0x96: {  	_ =	strace s2  }
0x97: {  	_ =	strace $0x8FFFFFFF  }
0x98: {  	s18 =	sld [smem:$0x3FDB];
	_ =	sdelay $0x1  }
0x99: {  	s19 =	simm.s32 $_scs_section_size  }
0x9a: {  	s4 =	simm.s32 $_size__tile_overlayer_lowered;
	s5 =	simm.s32 $_tile_overlayer_lowered  }
0x9b: {  	s22 =	simm.s32 $0x1BFF;
	s21 =	sshll.u32 s5, $0x1;
	s2 =	sadd.s32 s19, s18  }
0x9c: {  	s6 =	simm.s32 $0x0;
	s20 =	sshll.u32 s4, $0x1;
	s4 =	sadd.s32 s21, s2  }
0x9d: {  	[timem:s6], [sflag:s22] =	dma.local [hbm:s4], s20  }
0x9e: {  	_ =	swait.ge [sflag:s22], s20  }
0x9f: {  	s3 =	ssub.s32 $0x0, s20;
	[sflag:s22] =	ssyncset.done $0x0  }
0xa0: {  	[sflag:s22] =	ssyncadd.s32 s3;
	_ =	sdelay $0x1  }
0xa1: {  	s23 =	simm.s32 $0x1B8B  }
0xa2: {  	_ =	swait.ge [sflag:s23], $0x1  }
0xa3: {  	[sflag:s23] =	ssyncset.done $0x0  }
0xa4: {  	s25 =	simm.s32 $0x1B8E;
	s24 =	sld [smem:$0x3FFE];
	[sflag:s23] =	ssyncadd.s32 $0xFFFFFFFF  }
0xa5: {  	s26 =	simm.s32 $execute0_lowered;
	[smem:$0x3FD2] =	sst s25  }
0xa6: {  	s4 =	sshll.u32 s26, $0x1;
	_ =	strace $0x80000049;
	[dreg:$0x1] =	wrdreg $0xFFFFFFFF  }
0xa7: {  	s28 =	simm.s32 $_size_execute0_lowered;
	s2 =	sadd.s32 s2, s4;
	[dreg:$0x0] =	wrdreg $0x0  }
0xa8: {  	s4 =	sshll.u32 s28, $0x1;
	[dreg:$0x2] =	wrdreg s2  }
0xa9: {  	[dreg:$0x3] =	wrdreg s4  }
0xaa: {  	[dreg:$0x4] =	wrdreg $0xC0  }
0xab: {  	_ =	task [dreg:s6], $0x5FFFF  }
0xac: {  	[dreg:$0x1] =	wrdreg $0xFFFFFFFF  }
0xad: {  	[dreg:$0x0] =	wrdreg $0x60  }
0xae: {  	[dreg:$0x2] =	wrdreg s24  }
0xaf: {  	[dreg:$0x3] =	wrdreg $0x98000  }
0xb0: {  	[dreg:$0x4] =	wrdreg $0x9  }
0xb1: {  	_ =	task.clear_ibuf [dreg:s6], $0x5FFFF;
	_ =	strace $0x90000049  }
0xb2: {  	s29 =	simm.s32 $0x9;
	_ =	strace $0x8000004B  }
0xb3: {  	_ =	swait.ge [sflag:s29], $0x1  }
0xb4: {  	[sflag:s29] =	ssyncadd.s32 $0xFFFFFFFF  }
0xb5: {  	_ =	strace $0x9000004B  }
0xb6: {  	_ =	sfence  }
0xb7: {  	s30 =	sld [smem:$0x0];
	_ =	sdelay $0x2  }
0xb8: {  	s31 =	sshll.u32 s1, $0xD;
	s1 =	sshrl.u32 s1, $0x2  }
0xb9: {  	s3 =	sand.u32 $0x4000, s31;
	s1 =	sadd.s32 s1, s30  }
0xba: {  	s0 =	sor.u32 s3, s0;
	s1 =	sshll.u32 s1, $0x11  }
0xbb: {  	s0 =	sor.u32 s1, s0  }
0xbc: {  	s0 =	sadd.s32 $0x8F2B, s0  }
0xbd: {  	[sflag:s0] =	ssyncadd.remote.s32 $0x1  }
0xbe: {  	_ =	sfence.sel $0xFFFF  }
0xbf: {  	[dreg:$0x0] =	wrdreg $0xFFFFFFFF;
	(pc) =	sbr.abs _section_cstart, $3  }
0xc0: {  	[dreg:$0x1] =	wrdreg $0xFFFFFFFF  }
0xc1: {  	_ =	task.clear_ibuf [dreg:s6], $0x2FFFF;
	_ =	strace $0x9FFFFFFF  }
0xc2: {  	(tm) =	ssettm $0x7FFFFFFF  }
0xc3: {  	_ =	shalt  }
tec
execute0_lowered:
.L_overlay_start_1:
0x0: {  	(tag) =	ssettag $0x1  }
0x1: {  	s6 =	rddreg [dreg:$0x0];
	s0 =	srdreg.scid  }
0x2: {  	s2 =	rddreg [dreg:$0x1];
	s1 =	stileid.u32;
	s3 =	simm.s32 $0x0  }
0x3: {  	s17 =	simm.s32 $0x2000;
	s18 =	simm.s32 $0x3;
	s19 =	simm.s32 $0x50  }
0x4: {  	s20 =	simm.s32 $0x80;
	s21 =	simm.s32 $0x4800;
	s22 =	simm.s32 $0x1  }
0x5: {  	s23 =	simm.s32 $0x2;
	s7 =	sand.u32 $0x1, s0;
	s5 =	smul.u32 $0x14000, s1  }
0x6: {  	s24 =	simm.s32 $0x0;
	[smem:$0x7FF] =	sst s3;
	s4 =	smul.u32 $0x140000, s7  }
0x7: {  	s10 =	smul.u32 $0x50000, s1;
	s9 =	ssub.s32 $0x2, s7;
	s7 =	sshll.u32 s7, $0x4  }
0x8: {  	s31 =	sshrl.u32 s9, $0x1;
	s7 =	sor.u32 s1, s7;
	s8 =	sadd.s32 s5, s4  }
0x9: {  	s10 =	sshrl.u32 s10, $0x2;
	s4 =	sadd.s32 $0x29E00, s6;
	s8 =	sshrl.u32 s8, $0x3  }
0xa: {  	s5 =	sadd.s32 $0x1E00, s6;
	s9 =	ssub.s32 s9, s31;
	s8 =	sadd.s32 s8, s6  }
0xb: {  	s6 =	smul.u32 $0x5000, s7;
	s7 =	sadd.s32 $0x51E00, s8;
	s8 =	sadd.s32 s10, s2  }
0xc: {  	_ =	strace $0x8000004A;
	s9 =	smax.u32 s9, $0x1;
	s10 =	sadd.s32 $0x2800, s8  }
0xd: {  	s11 =	sadd.s32 $0x5000, s8;
	s12 =	sadd.s32 $0x7800, s8;
	s13 =	sadd.s32 $0xA000, s8  }
0xe: {  	v0 =	vimm.f32 $0.0e+00;
	s14 =	sadd.s32 $0xC800, s8;
	s15 =	sadd.s32 $0xF000, s8;
	s16 =	sadd.s32 $0x11800, s8  }
.LBB2_1:
0xf: {  	s25 =	sand.u32 $0xFE00, s3  }
0x10: {  	s26 =	sand.u32 $0x70, s3;
	s28 =	sshrl.u32 s25, $0x2  }
0x11: {  	s25 =	simm.s32 $0x40;
	s28 =	sor.u32 s26, s28;
	s26 =	simm.s32 $0x0  }
.LBB2_2:
0x12: {  	p0 =	sne.s32 s25, $0x9FC0  }
0x13: {  	[tilespmem:s28+$0x2000] =	vst v0;
	s26 =	sadd.s32 $0x10, s26;
	s28 =	smov.u32 s25;
	s25 =	sadd.s32 $0x40, s25  }
.Ltmp0:
0x14: {  	(pc) =	sbr.rel @p0 .LBB2_2-.Ltmp0, $4  }
0x15: {  	_ = 	snop  }
0x16: {  	s28 =	sand.u32 $0xFE00, s28  }
0x17: {  	s29 =	sand.u32 $0x70, s26;
	s28 =	sshrl.u32 s28, $0x2  }
0x18: {  	s28 =	sor.u32 s29, s28  }
0x19: {  	[tilespmem:s28+$0x2000] =	vst v0  }
0x1a: {  	[spmem:s8] =	stream.linear.scatter [tilespmem:s17], [sflag:$0x3], $0x2800, $0x38;
	[tilespmem:$0x1D800] =	vst v63  }
0x1b: {  	_ =	swait.ge [sflag:s18], $0x2800  }
0x1c: {  	[sflag:s18] =	ssyncset.done $0x0  }
0x1d: {  	[sflag:s18] =	ssyncadd.s32 $0xFFFFD800  }
0x1e: {  	[spmem:s10] =	stream.linear.scatter [tilespmem:s17], [sflag:$0x3], $0x2800, $0x38;
	[tilespmem:$0x1D800] =	vst v63  }
0x1f: {  	_ =	swait.ge [sflag:s18], $0x2800  }
0x20: {  	[sflag:s18] =	ssyncset.done $0x0  }
0x21: {  	[sflag:s18] =	ssyncadd.s32 $0xFFFFD800  }
0x22: {  	[spmem:s11] =	stream.linear.scatter [tilespmem:s17], [sflag:$0x3], $0x2800, $0x38;
	[tilespmem:$0x1D800] =	vst v63  }
0x23: {  	_ =	swait.ge [sflag:s18], $0x2800  }
0x24: {  	[sflag:s18] =	ssyncset.done $0x0  }
0x25: {  	[sflag:s18] =	ssyncadd.s32 $0xFFFFD800  }
0x26: {  	[spmem:s12] =	stream.linear.scatter [tilespmem:s17], [sflag:$0x3], $0x2800, $0x38;
	[tilespmem:$0x1D800] =	vst v63  }
0x27: {  	_ =	swait.ge [sflag:s18], $0x2800  }
0x28: {  	[sflag:s18] =	ssyncset.done $0x0  }
0x29: {  	[sflag:s18] =	ssyncadd.s32 $0xFFFFD800  }
0x2a: {  	[spmem:s13] =	stream.linear.scatter [tilespmem:s17], [sflag:$0x3], $0x2800, $0x38;
	[tilespmem:$0x1D800] =	vst v63  }
0x2b: {  	_ =	swait.ge [sflag:s18], $0x2800  }
0x2c: {  	[sflag:s18] =	ssyncset.done $0x0  }
0x2d: {  	[sflag:s18] =	ssyncadd.s32 $0xFFFFD800  }
0x2e: {  	[spmem:s14] =	stream.linear.scatter [tilespmem:s17], [sflag:$0x3], $0x2800, $0x38;
	[tilespmem:$0x1D800] =	vst v63  }
0x2f: {  	_ =	swait.ge [sflag:s18], $0x2800  }
0x30: {  	[sflag:s18] =	ssyncset.done $0x0  }
0x31: {  	[sflag:s18] =	ssyncadd.s32 $0xFFFFD800  }
0x32: {  	[spmem:s15] =	stream.linear.scatter [tilespmem:s17], [sflag:$0x3], $0x2800, $0x38;
	[tilespmem:$0x1D800] =	vst v63  }
0x33: {  	_ =	swait.ge [sflag:s18], $0x2800  }
0x34: {  	[sflag:s18] =	ssyncset.done $0x0  }
0x35: {  	[sflag:s18] =	ssyncadd.s32 $0xFFFFD800  }
0x36: {  	[spmem:s16] =	stream.linear.scatter [tilespmem:s17], [sflag:$0x3], $0x2800, $0x38;
	[tilespmem:$0x1D800] =	vst v63  }
0x37: {  	_ =	swait.ge [sflag:s18], $0x2800  }
0x38: {  	[sflag:s18] =	ssyncset.done $0x0  }
0x39: {  	[sflag:s18] =	ssyncadd.s32 $0xFFFFD800  }
0x3a: {  	s25 =	simm.s32 $0x0;
	s26 =	simm.s32 $0x0;
	[bflag:$0x0] =	sbarrier.arrive $0xFFFF  }
.LBB2_4:
0x3b: {  	s28 =	sshll.u32 s26, $0xC  }
0x3c: {  	s28 =	sadd.s32 s6, s28  }
0x3d: {  	s28 =	sshrl.u32 s28, $0x3  }
0x3e: {  	s28 =	sadd.s32 s5, s28  }
0x3f: {  	[tilespmem:s25], [sflag:$0x3] =	stream.linear.gather [hbm4b:s28+s25], $0xC80, $0x38;
	[tilespmem:$0x1D800] =	vst v63  }
0x40: {  	_ =	swait.ge [sflag:s18], $0xC80  }
0x41: {  	[sflag:s18] =	ssyncset.done $0x0  }
0x42: {  	s29 =	sadd.s32 $0x14000, s28;
	s28 =	simm.s32 $0x1000;
	[sflag:s18] =	ssyncadd.s32 $0xFFFFF380  }
0x43: {  	[tilespmem:s28], [sflag:$0x3] =	stream.linear.gather [hbm4b:s29+s25], $0xC80, $0x38;
	[tilespmem:$0x1D800] =	vst v63  }
0x44: {  	_ =	swait.ge [sflag:s18], $0xC80  }
0x45: {  	[sflag:s18] =	ssyncset.done $0x0  }
0x46: {  	[sflag:s18] =	ssyncadd.s32 $0xFFFFF380  }
0x47: {  	[tilespmem:s17], [sflag:$0x1] =	stream.indirect.gather [hbm4b:s4+s19], $0x80, s25, s19, $0xb8;
	[tilespmem:$0x1D800] =	vst v63  }
0x48: {  	s30 =	simm.s32 $0x0;
	s29 =	simm.s32 $0x100  }
0x49: {  	[tilespmem:s21], [sflag:$0x1] =	stream.indirect.gather [hbm4b:s4+s19], $0x80, s20, s19, $0xb8;
	[tilespmem:$0x1D800] =	vst v63  }
.LBB2_5:
0x4a: {  	p0 =	seq.s32 s30, $0x0  }
0x4b: {  	s31 =	simm.s32 @!p0 $0x2  }
0x4c: {  	p1 =	sgt.u32 @!p0 s30, $0x16;
	_ =	swait.ge @!p0 [sflag:s31], $0x2800  }
0x4d: {  	p1 =	por p0, !p1;
	[sflag:s31] =	ssyncset.done @!p0 $0x0  }
0x4e: {  	[sflag:s31] =	ssyncadd.s32 @!p0 $0xFFFFD800;
	s31 =	sadd.s32 @p1 $0x2, s30  }
0x4f: {  	s0 =	smul.u32 @p1 $0xAB, s31;
	_ =	sdelay $0x1  }
0x50: {  	s0 =	sshrl.u32 @p1 s0, $0x9  }
0x51: {  	s0 =	sand.u32 @p1 $0x7F, s0  }
0x52: {  	s0 =	smul.u32 @p1 $0x3, s0;
	_ =	sdelay $0x1  }
0x53: {  	s0 =	ssub.s32 @p1 s31, s0  }
0x54: {  	s0 =	sand.u32 @p1 $0xFF, s0  }
0x55: {  	s0 =	smul.u32 @p1 $0xA000, s0;
	_ =	sdelay $0x1  }
0x56: {  	s0 =	sshrl.u32 @p1 s0, $0x2  }
0x57: {  	s31 =	smul.u32 $0xAB, s30;
	s0 =	sadd.s32 @p1 $0x2000, s0  }
0x58: {  	[tilespmem:s0], [sflag:$0x1] =	stream.indirect.gather @p1 [hbm4b:s4+s19], $0x80, s29, s19, $0xb8;
	[tilespmem:$0x1D800] =	vst v63  }
0x59: {  	s0 =	sshrl.u32 s31, $0x9  }
0x5a: {  	s0 =	sand.u32 $0x7F, s0  }
0x5b: {  	s0 =	smul.u32 $0x3, s0;
	_ =	sdelay $0x1  }
0x5c: {  	s0 =	ssub.s32 s30, s0  }
0x5d: {  	s30 =	sadd.s32 $0x1, s30;
	s0 =	sand.u32 $0xFF, s0  }
0x5e: {  	p0 =	sne.s32 s30, $0x19;
	s0 =	smul.u32 $0xA000, s0  }
.Ltmp1:
0x5f: {  	_ =	swait.ge [sflag:s22], $0x2800;
	(pc) =	sbr.rel @p0 .LBB2_5-.Ltmp1, $4  }
0x60: {  	[sflag:s22] =	ssyncset.done $0x0;
	s0 =	sshrl.u32 s0, $0x2  }
0x61: {  	[sflag:s22] =	ssyncadd.s32 $0xFFFFD800;
	s0 =	sadd.s32 $0x2000, s0  }
0x62: {  	[spmem:s2] =	stream.indirect.scatter.add.f32 [tilespmem:s0], [sflag:$0x2], $0x80, s28, s19, $0xb8;
	[tilespmem:$0x1D800] =	vst v63  }
0x63: {  	s29 =	sadd.s32 $0x80, s29;
	s28 =	sadd.s32 $0x80, s28  }
0x64: {  	s26 =	sadd.s32 $0x1, s26  }
0x65: {  	p0 =	sne.s32 s26, $0x5  }
.Ltmp2:
0x66: {  	_ = 	snop;
	(pc) =	sbr.rel @p0 .LBB2_4-.Ltmp2, $4  }
0x67: {  	_ = 	snop  }
0x68: {  	_ =	swait.ge [sflag:s23], $0x2800  }
0x69: {  	[sflag:s23] =	ssyncset.done $0x0  }
0x6a: {  	[sflag:s23] =	ssyncadd.s32 $0xFFFFD800  }
0x6b: {  	s24 =	sadd.s32 $0x1, s24  }
0x6c: {  	s0 =	sshll.u32 s1, $0x6;
	[bflag:$0x0] =	sbarrier.arrive $0xFFFF;
	p0 =	sne.s32 s24, s9  }
.Ltmp3:
0x6d: {  	s25 =	sshrl.u32 s8, $0x3;
	s0 =	sor.u32 $0x1C03, s0;
	(pc) =	sbr.rel @p0 .LBB2_1-.Ltmp3, $4  }
0x6e: {  	[hbm:s7], [sflag:s0] =	dma.local [spmem:s25], $0x2800  }
0x6f: {  	_ =	swait.ge [sflag:s18], $0x2800  }
0x70: {  	[sflag:s18] =	ssyncset.done $0x0  }
0x71: {  	[sflag:s18] =	ssyncadd.s32 $0xFFFFD800  }
0x72: {  	_ =	sfence.sel $0x180000  }
0x73: {  	[bflag:$0x0] =	sbarrier.arrive $0xFFFF  }
0x74: {  	_ =	strace $0x9000004A  }
0x75: {  	[bflag:$0x2] =	sbarrier.arrive $0xFFFF  }
0x76: {  	p0 =	sne.s32 s1, $0x0;
	s0 =	rddreg [dreg:$0x2]  }
0x77: {  	s0 =	sadd.s32 @!p0 $0x100000, s0  }
0x78: {  	[sflag:s0] =	ssyncadd.tile.s32 @!p0 $0x1;
	_ =	shalt  }
.Lfunc_end2:
_tile_overlayer_lowered:
.L_overlay_start_2:
0x79: {  	(tag) =	ssettag $0x2  }
0x7a: {  	s0 =	rddreg [dreg:$0x0];
	s2 =	stileid.u32  }
0x7b: {  	s1 =	rddreg [dreg:$0x1];
	p0 =	sne.s32 s2, $0x0  }
0x7c: {  	s3 =	rddreg [dreg:$0x2];
	[bflag:$0x3] =	sbarrier.arrive $0xFFFF;
	s2 =	simm.s32 @!p0 $0x1C03  }
0x7d: {  	[timem:s3], [sflag:s2] =	dma.local @!p0 [hbm:s0], s1  }
0x7e: {  	s0 =	simm.s32 @!p0 $0x3  }
0x7f: {  	_ =	swait.ge @!p0 [sflag:s0], s1  }
0x80: {  	s1 =	ssub.s32 @!p0 $0x0, s1;
	[sflag:s0] =	ssyncset.done @!p0 $0x0  }
0x81: {  	[sflag:s0] =	ssyncadd.s32 @!p0 s1  }
0x82: {  	[bflag:$0x3] =	sbarrier.arrive $0xFFFF  }
0x83: {  	_ =	shalt  }

// kernel: kernel.7.cloned.1.call-start
scs
__scs_entry_jumppad:
0x0: {  	(pc) =	sbr.rel $0x88, $3  }
0x1: {  	(tag) =	ssettag $0x0;
	lr =	simm.s32 $0x1  }
0x2: {  	[smem:$0x3F9D] =	sst lr;
	_ =	strace $0xD0000000  }
0x3: {  	_ = 	snop  }
0x4: {  	_ = 	snop  }
0x5: {  	_ = 	snop  }
0x6: {  	_ = 	snop  }
0x7: {  	_ = 	snop  }
__scs_overlays_trampoline_lowered:
0x8: {  	[smem:$0x3FAC] =	sst s0  }
0x9: {  	[smem:$0x3FAD] =	sst s1  }
0xa: {  	[smem:$0x3FAE] =	sst s2  }
0xb: {  	[smem:$0x3FAF] =	sst s3  }
0xc: {  	[smem:$0x3FB0] =	sst s4  }
0xd: {  	[smem:$0x3FB1] =	sst s5  }
0xe: {  	[smem:$0x3FB2] =	sst s6  }
0xf: {  	[smem:$0x3FB3] =	sst s7  }
0x10: {  	[smem:$0x3FB4] =	sst s8  }
0x11: {  	[smem:$0x3FB5] =	sst s9;
	s0 =	simm.s32 @!p0 $0x0  }
0x12: {  	s1 =	sld [smem:$0x3F9B];
	s0 =	simm.s32 @p0 $0x1  }
0x13: {  	[smem:$0x3FB6] =	sst s0;
	s0 =	simm.s32 @!p1 $0x0  }
0x14: {  	s2 =	sld [smem:$0x3F9A];
	s0 =	simm.s32 @p1 $0x1  }
0x15: {  	[smem:$0x3FB7] =	sst s0;
	s0 =	simm.s32 @!p2 $0x0  }
0x16: {  	s3 =	sld [smem:$0x3FDB];
	s0 =	simm.s32 @p2 $0x1  }
0x17: {  	s4 =	simm.s32 $0x1BF5;
	[smem:$0x3FB9] =	sst s0  }
0x18: {  	s0 =	sld [smem:$0x3F9C];
	_ =	swait.ge [sflag:s4], $0x0  }
0x19: {  	s7 =	sld [smem:$0x3F9D]  }
0x1a: {  	s8 =	sadd.s32 $0xFFFFE003, lr  }
0x1b: {  	s9 =	sadd.s32 $0xFFFFFEF7, lr;
	s5 =	simm.s32 $0xFFFFFFFF;
	p2 =	slt.u32 s8, $0xFFFFF086  }
0x1c: {  	p1 =	slt.u32 s9, $0xF7A;
	s5 =	simm.s32 @!p2 $0x0  }
0x1d: {  	s5 =	simm.s32 @p1 $0x1;
	p0 =	seq.s32 s7, s2  }
0x1e: {  	s7 =	smul.u32 @!p0 $0xF7A, s2;
	p2 =	seq.s32 @!p0 s5, $0x0  }
0x1f: {  	s9 =	smul.u32 $0xF7A, s1;
	s8 =	simm.s32 @!p0 $0x1BF5;
	p2 =	por !p2, p0  }
0x20: {  	[sflag:s8] =	ssyncset.s32 @!p0 $0xFFFFF086;
	s6 =	sadd.s32 @!p0 s3, s7;
	s7 =	simm.s32 @!p0 $0x108  }
0x21: {  	s3 =	sadd.s32 s3, s9;
	s6 =	sadd.s32 @!p0 $0x88, s6;
	s7 =	simm.s32 @p2 $0x1082  }
0x22: {  	[simem:s7], [sflag:s8] =	dma.local @!p0 [hbm:s6], $0xF7A  }
0x23: {  	s9 =	sor.u32 $0xD0000000, s2;
	s6 =	simm.s32 $0x108;
	_ =	swait.ge @!p0 [sflag:s8], $0x0  }
0x24: {  	s3 =	sadd.s32 $0x88, s3;
	s6 =	simm.s32 @!p1 $0x1082;
	[sflag:s4] =	ssyncset.s32 $0xFFFFF086  }
0x25: {  	[simem:s6], [sflag:s4] =	dma.local [hbm:s3], $0xF7A  }
0x26: {  	[smem:$0x3F9D] =	sst s1;
	(tag) =	ssettag s2;
	_ =	strace s9  }
0x27: {  	s1 =	sld [smem:$0x3FAD]  }
0x28: {  	s2 =	sld [smem:$0x3FAE]  }
0x29: {  	s4 =	sld [smem:$0x3FB0]  }
0x2a: {  	p0 =	seq.s32 s5, $0x0;
	s5 =	sld [smem:$0x3FB1]  }
0x2b: {  	s6 =	sld [smem:$0x3FB2]  }
0x2c: {  	s7 =	sld [smem:$0x3FB3]  }
0x2d: {  	s3 =	simm.s32 $0x108;
	s8 =	sld [smem:$0x3FB4]  }
0x2e: {  	s3 =	simm.s32 @!p0 $0x1082;
	s9 =	sld [smem:$0x3FB5]  }
0x2f: {  	lr =	sadd.s32 s0, s3;
	s0 =	sld [smem:$0x3FAC]  }
0x30: {  	s3 =	sld [smem:$0x3FAF]  }
0x31: {  	[smem:$0x3FB8] =	sst s10  }
0x32: {  	s10 =	sld [smem:$0x3FB6];
	_ =	sdelay $0x3  }
0x33: {  	p0 =	seq.s32 s10, $0x1;
	s10 =	sld [smem:$0x3FB8];
	_ =	sdelay $0x3  }
0x34: {  	[smem:$0x3FB8] =	sst s10  }
0x35: {  	s10 =	sld [smem:$0x3FB7];
	_ =	sdelay $0x3  }
0x36: {  	p1 =	seq.s32 s10, $0x1;
	s10 =	sld [smem:$0x3FB8];
	_ =	sdelay $0x3  }
0x37: {  	[smem:$0x3FB8] =	sst s10  }
0x38: {  	s10 =	sld [smem:$0x3FB9]  }
0x39: {  	_ = 	snop;
	(pc) =	sbr.ind lr, $3  }
0x3a: {  	_ = 	snop  }
0x3b: {  	_ = 	snop  }
0x3c: {  	p2 =	seq.s32 s10, $0x1;
	s10 =	sld [smem:$0x3FB8]  }
0x3d: {  	_ =	shalt  }
0x3e: {  	_ =	shalt  }
0x3f: {  	_ =	shalt  }
0x40: {  	_ =	shalt  }
0x41: {  	_ =	shalt  }
0x42: {  	_ =	shalt  }
0x43: {  	_ =	shalt  }
0x44: {  	_ =	shalt  }
0x45: {  	_ =	shalt  }
0x46: {  	_ =	shalt  }
0x47: {  	_ =	shalt  }
0x48: {  	_ =	shalt  }
0x49: {  	_ =	shalt  }
0x4a: {  	_ =	shalt  }
0x4b: {  	_ =	shalt  }
0x4c: {  	_ =	shalt  }
0x4d: {  	_ =	shalt  }
0x4e: {  	_ =	shalt  }
0x4f: {  	_ =	shalt  }
0x50: {  	_ =	shalt  }
0x51: {  	_ =	shalt  }
0x52: {  	_ =	shalt  }
0x53: {  	_ =	shalt  }
0x54: {  	_ =	shalt  }
0x55: {  	_ =	shalt  }
0x56: {  	_ =	shalt  }
0x57: {  	_ =	shalt  }
0x58: {  	_ =	shalt  }
0x59: {  	_ =	shalt  }
0x5a: {  	_ =	shalt  }
0x5b: {  	_ =	shalt  }
0x5c: {  	_ =	shalt  }
0x5d: {  	_ =	shalt  }
0x5e: {  	_ =	shalt  }
0x5f: {  	_ =	shalt  }
0x60: {  	_ =	shalt  }
0x61: {  	_ =	shalt  }
0x62: {  	_ =	shalt  }
0x63: {  	_ =	shalt  }
0x64: {  	_ =	shalt  }
0x65: {  	_ =	shalt  }
0x66: {  	_ =	shalt  }
0x67: {  	_ =	shalt  }
0x68: {  	_ =	shalt  }
0x69: {  	_ =	shalt  }
0x6a: {  	_ =	shalt  }
0x6b: {  	_ =	shalt  }
0x6c: {  	_ =	shalt  }
0x6d: {  	_ =	shalt  }
0x6e: {  	_ =	shalt  }
0x6f: {  	_ =	shalt  }
0x70: {  	_ =	shalt  }
0x71: {  	_ =	shalt  }
0x72: {  	_ =	shalt  }
0x73: {  	_ =	shalt  }
0x74: {  	_ =	shalt  }
0x75: {  	_ =	shalt  }
0x76: {  	_ =	shalt  }
0x77: {  	_ =	shalt  }
0x78: {  	_ =	shalt  }
0x79: {  	_ =	shalt  }
0x7a: {  	_ =	shalt  }
0x7b: {  	_ =	shalt  }
0x7c: {  	_ =	shalt  }
0x7d: {  	_ =	shalt  }
0x7e: {  	_ =	shalt  }
0x7f: {  	_ =	shalt  }
0x80: {  	_ =	shalt  }
0x81: {  	_ =	shalt  }
0x82: {  	_ =	shalt  }
0x83: {  	_ =	shalt  }
0x84: {  	_ =	shalt  }
0x85: {  	_ =	shalt  }
0x86: {  	_ =	shalt  }
0x87: {  	_ =	shalt  }
.Lfunc_end0:
.L_simem_size_0:
called_computation_lowered:
.L_overlay_start_0:
0x88: {  	s2 =	sld [smem:$0x3FD9]  }
0x89: {  	s3 =	sld [smem:$0x3FFE];
	_ =	sdelay $0x1  }
0x8a: {  	s1 =	srdreg.scid  }
0x8b: {  	s0 =	sand.u32 $0x1, s1  }
0x8c: {  	s17 =	sshll.u32 s0, $0xA;
	s2 =	sadd.s32 s3, s2  }
0x8d: {  	s2 =	sadd.s32 s2, s17  }
0x8e: {  	[smem:$0x3FC4] =	sst s2  }
0x8f: {  	_ = 	snop  }
0x90: {  	s2 =	sld [smem:$0x3FD0];
	(tm) =	ssettm $0x1  }
0x91: {  	s18 =	sld [smem:$0x3FFB];
	_ =	sdelay $0x3  }
0x92: {  	_ =	strace s18  }
0x93: {  	s3 =	sld [smem:$0x3FFC];
	_ =	sdelay $0x3  }
0x94: {  	_ =	strace s3  }
0x95: {  	s3 =	sld [smem:$0x3FFD];
	_ =	sdelay $0x3  }
0x96: {  	_ =	strace s3  }
0x97: {  	_ =	strace $0x8FFFFFFF  }
0x98: {  	s19 =	sld [smem:$0x3FDB];
	_ =	sdelay $0x1  }
0x99: {  	s4 =	simm.s32 $_scs_section_size  }
0x9a: {  	s5 =	simm.s32 $_size__tile_overlayer_lowered;
	s6 =	simm.s32 $_tile_overlayer_lowered  }
0x9b: {  	s22 =	simm.s32 $0x1BFF;
	s21 =	sshll.u32 s6, $0x1;
	s3 =	sadd.s32 s4, s19  }
0x9c: {  	s7 =	simm.s32 $0x0;
	s20 =	sshll.u32 s5, $0x1;
	s5 =	sadd.s32 s21, s3  }
0x9d: {  	[timem:s7], [sflag:s22] =	dma.local [hbm:s5], s20  }
0x9e: {  	_ =	swait.ge [sflag:s22], s20  }
0x9f: {  	s4 =	ssub.s32 $0x0, s20;
	[sflag:s22] =	ssyncset.done $0x0  }
0xa0: {  	[sflag:s22] =	ssyncadd.s32 s4;
	_ =	sdelay $0x1  }
0xa1: {  	s23 =	simm.s32 $0x1B8B  }
0xa2: {  	_ =	swait.ge [sflag:s23], $0x1  }
0xa3: {  	[sflag:s23] =	ssyncset.done $0x0  }
0xa4: {  	s25 =	simm.s32 $0x1B8E;
	s24 =	sld [smem:$0x3FFE];
	[sflag:s23] =	ssyncadd.s32 $0xFFFFFFFF  }
0xa5: {  	s26 =	simm.s32 $execute0_lowered;
	[smem:$0x3FD2] =	sst s25  }
0xa6: {  	s5 =	sshll.u32 s26, $0x1;
	_ =	strace $0x80000046;
	[dreg:$0x1] =	wrdreg $0xFFFFFFFF  }
0xa7: {  	s28 =	simm.s32 $_size_execute0_lowered;
	s3 =	sadd.s32 s3, s5;
	[dreg:$0x0] =	wrdreg $0x0  }
0xa8: {  	s5 =	sshll.u32 s28, $0x1;
	[dreg:$0x2] =	wrdreg s3  }
0xa9: {  	[dreg:$0x3] =	wrdreg s5  }
0xaa: {  	[dreg:$0x4] =	wrdreg $0xC0  }
0xab: {  	_ =	task [dreg:s7], $0x5FFFF  }
0xac: {  	[dreg:$0x1] =	wrdreg $0xFFFFFFFF  }
0xad: {  	[dreg:$0x0] =	wrdreg $0x60  }
0xae: {  	[dreg:$0x2] =	wrdreg s24  }
0xaf: {  	[dreg:$0x3] =	wrdreg s2  }
0xb0: {  	[dreg:$0x4] =	wrdreg $0x9  }
0xb1: {  	_ =	task.clear_ibuf [dreg:s7], $0x5FFFF;
	_ =	strace $0x90000046  }
0xb2: {  	s29 =	simm.s32 $0x9;
	_ =	strace $0x80000048  }
0xb3: {  	_ =	swait.ge [sflag:s29], $0x1  }
0xb4: {  	[sflag:s29] =	ssyncadd.s32 $0xFFFFFFFF  }
0xb5: {  	_ =	strace $0x90000048  }
0xb6: {  	_ =	sfence  }
0xb7: {  	s30 =	sld [smem:$0x0];
	_ =	sdelay $0x2  }
0xb8: {  	s31 =	sshll.u32 s1, $0xD;
	s1 =	sshrl.u32 s1, $0x2  }
0xb9: {  	s3 =	sand.u32 $0x4000, s31;
	s1 =	sadd.s32 s1, s30  }
0xba: {  	s0 =	sor.u32 s3, s0;
	s1 =	sshll.u32 s1, $0x11  }
0xbb: {  	s0 =	sor.u32 s1, s0  }
0xbc: {  	s0 =	sadd.s32 $0x8F2B, s0  }
0xbd: {  	[sflag:s0] =	ssyncadd.remote.s32 $0x1  }
0xbe: {  	_ =	sfence.sel $0xFFFF  }
0xbf: {  	[dreg:$0x0] =	wrdreg $0xFFFFFFFF;
	(pc) =	sbr.abs _section_cstart, $3  }
0xc0: {  	[dreg:$0x1] =	wrdreg $0xFFFFFFFF  }
0xc1: {  	_ =	task.clear_ibuf [dreg:s7], $0x2FFFF;
	_ =	strace $0x9FFFFFFF  }
0xc2: {  	(tm) =	ssettm $0x7FFFFFFF  }
0xc3: {  	_ =	shalt  }
tec
execute0_lowered:
.L_overlay_start_1:
0x0: {  	(tag) =	ssettag $0x1  }
0x1: {  	s0 =	srdreg.scid;
	s1 =	rddreg [dreg:$0x0]  }
0x2: {  	s6 =	stileid.u32;
	s3 =	rddreg [dreg:$0x1]  }
0x3: {  	s19 =	simm.s32 $0x1900;
	s20 =	simm.s32 $0x5900;
	s21 =	simm.s32 $0x2580  }
0x4: {  	s22 =	simm.s32 $0x6580;
	s23 =	simm.s32 $0x3200;
	s24 =	simm.s32 $0x7200  }
0x5: {  	s25 =	simm.s32 $0x1;
	s28 =	simm.s32 $0xA800;
	s0 =	sand.u32 $0x1, s0  }
0x6: {  	s29 =	simm.s32 $0x80;
	s30 =	simm.s32 $0x400;
	s2 =	sshll.u32 s0, $0x4  }
0x7: {  	s31 =	simm.s32 $0x2;
	s0 =	ssub.s32 $0x2, s0;
	s4 =	sor.u32 s6, s2  }
0x8: {  	s2 =	simm.s32 $0x0;
	s5 =	sshrl.u32 s4, $0x3;
	s4 =	smul.u32 $0x5000, s4  }
0x9: {  	s6 =	sshll.u32 s6, $0x7;
	s26 =	sshrl.u32 s0, $0x1;
	s5 =	smul.u32 $0x14000, s5  }
0xa: {  	[smem:$0x7FF] =	sst s2;
	s6 =	sand.u32 $0x380, s6;
	s0 =	ssub.s32 s0, s26  }
0xb: {  	s26 =	simm.s32 $0x8000;
	s4 =	sshrl.u32 s4, $0x3;
	s5 =	sor.u32 s6, s5  }
0xc: {  	_ =	strace $0x80000047;
	s15 =	sadd.s32 s4, s1;
	s5 =	sshrl.u32 s5, $0x3  }
0xd: {  	s6 =	sadd.s32 $0x1E00, s15;
	s7 =	sadd.s32 $0x15E00, s15;
	s8 =	sadd.s32 $0x2000, s15  }
0xe: {  	s9 =	sadd.s32 $0x16000, s15;
	s10 =	sadd.s32 $0x2200, s15;
	s11 =	sadd.s32 $0x16200, s15  }
0xf: {  	s12 =	sadd.s32 $0x2400, s15;
	s13 =	sadd.s32 $0x16400, s15;
	s14 =	sadd.s32 $0x2600, s15  }
0x10: {  	s15 =	sadd.s32 $0x16600, s15;
	s1 =	sadd.s32 s5, s1;
	s3 =	sadd.s32 s3, s5  }
0x11: {  	v0 =	vimm.f32 $0.0e+00;
	v1 =	vimm.f32 $1.000000000e+00;
	s5 =	smax.u32 s0, $0x1;
	s4 =	sadd.s32 $0x29E00, s1;
	s1 =	simm.s32 $0x0  }
.LBB2_1:
0x12: {  	[tilespmem:s2], [sflag:$0x1] =	stream.linear.gather [hbm4b:s6+s2], $0xC80, $0x38;
	[tilespmem:$0xD000] =	vst v63  }
0x13: {  	s0 =	simm.s32 $0x4000  }
0x14: {  	[tilespmem:s0], [sflag:$0x1] =	stream.linear.gather [hbm4b:s7+s2], $0xC80, $0x38;
	[tilespmem:$0xD000] =	vst v63  }
0x15: {  	s17 =	simm.s32 $0xC80  }
0x16: {  	[tilespmem:s17], [sflag:$0x1] =	stream.linear.gather [hbm4b:s8+s2], $0xC80, $0x38;
	[tilespmem:$0xD000] =	vst v63  }
0x17: {  	s18 =	simm.s32 $0x4C80  }
0x18: {  	[tilespmem:s18], [sflag:$0x1] =	stream.linear.gather [hbm4b:s9+s2], $0xC80, $0x38;
	[tilespmem:$0xD000] =	vst v63  }
0x19: {  	_ = 	snop  }
0x1a: {  	[tilespmem:s19], [sflag:$0x1] =	stream.linear.gather [hbm4b:s10+s2], $0xC80, $0x38;
	[tilespmem:$0xD000] =	vst v63  }
0x1b: {  	_ = 	snop  }
0x1c: {  	[tilespmem:s20], [sflag:$0x1] =	stream.linear.gather [hbm4b:s11+s2], $0xC80, $0x38;
	[tilespmem:$0xD000] =	vst v63  }
0x1d: {  	_ = 	snop  }
0x1e: {  	[tilespmem:s21], [sflag:$0x1] =	stream.linear.gather [hbm4b:s12+s2], $0xC80, $0x38;
	[tilespmem:$0xD000] =	vst v63  }
0x1f: {  	_ = 	snop  }
0x20: {  	[tilespmem:s22], [sflag:$0x1] =	stream.linear.gather [hbm4b:s13+s2], $0xC80, $0x38;
	[tilespmem:$0xD000] =	vst v63  }
0x21: {  	_ = 	snop  }
0x22: {  	[tilespmem:s23], [sflag:$0x1] =	stream.linear.gather [hbm4b:s14+s2], $0xC80, $0x38;
	[tilespmem:$0xD000] =	vst v63  }
0x23: {  	s16 =	simm.s32 $0x0;
	s0 =	simm.s32 $0x40  }
0x24: {  	[tilespmem:s24], [sflag:$0x1] =	stream.linear.gather [hbm4b:s15+s2], $0xC80, $0x38;
	[tilespmem:$0xD000] =	vst v63  }
.LBB2_2:
0x25: {  	p0 =	sne.s32 s0, $0x9FC0;
	[tilespmem:s16+$0x8000] =	vst v0;
	s17 =	smov.u32 s0;
	s0 =	sadd.s32 $0x40, s0  }
.Ltmp0:
0x26: {  	[tilespmem:s16+$0xA800] =	vst v0;
	(pc) =	sbr.rel @p0 .LBB2_2-.Ltmp0, $2  }
0x27: {  	_ =	sdelay $0x2  }
0x28: {  	s16 =	sshra.s32 s17, $0x2  }
0x29: {  	[tilespmem:s16+$0x8000] =	vst v0  }
0x2a: {  	[tilespmem:s16+$0xA800] =	vst v0  }
0x2b: {  	_ =	swait.ge [sflag:s25], $0xC80  }
0x2c: {  	[sflag:s25] =	ssyncset.done $0x0  }
0x2d: {  	[sflag:s25] =	ssyncadd.s32 $0xFFFFF380  }
0x2e: {  	_ =	swait.ge [sflag:s25], $0xC80  }
0x2f: {  	[sflag:s25] =	ssyncset.done $0x0  }
0x30: {  	[sflag:s25] =	ssyncadd.s32 $0xFFFFF380  }
0x31: {  	_ =	swait.ge [sflag:s25], $0xC80  }
0x32: {  	[sflag:s25] =	ssyncset.done $0x0  }
0x33: {  	[sflag:s25] =	ssyncadd.s32 $0xFFFFF380  }
0x34: {  	_ =	swait.ge [sflag:s25], $0xC80  }
0x35: {  	[sflag:s25] =	ssyncset.done $0x0  }
0x36: {  	[sflag:s25] =	ssyncadd.s32 $0xFFFFF380  }
0x37: {  	_ =	swait.ge [sflag:s25], $0xC80  }
0x38: {  	[sflag:s25] =	ssyncset.done $0x0  }
0x39: {  	[sflag:s25] =	ssyncadd.s32 $0xFFFFF380  }
0x3a: {  	_ =	swait.ge [sflag:s25], $0xC80  }
0x3b: {  	[sflag:s25] =	ssyncset.done $0x0  }
0x3c: {  	[sflag:s25] =	ssyncadd.s32 $0xFFFFF380  }
0x3d: {  	_ =	swait.ge [sflag:s25], $0xC80  }
0x3e: {  	[sflag:s25] =	ssyncset.done $0x0  }
0x3f: {  	s0 =	simm.s32 $0x0;
	[sflag:s25] =	ssyncadd.s32 $0xFFFFF380  }
0x40: {  	s0 =	smul.u32 $0xCCCD, s0;
	_ =	swait.ge [sflag:s25], $0xC80  }
0x41: {  	[sflag:s25] =	ssyncset.done $0x0  }
0x42: {  	s0 =	sshrl.u32 s0, $0x12;
	[sflag:s25] =	ssyncadd.s32 $0xFFFFF380  }
0x43: {  	s18 =	smul.u32 $0x5, s0;
	_ =	swait.ge [sflag:s25], $0xC80  }
0x44: {  	[sflag:s25] =	ssyncset.done $0x0  }
0x45: {  	s16 =	ssub.s32 $0x0, s18;
	[sflag:s25] =	ssyncadd.s32 $0xFFFFF380  }
0x46: {  	s0 =	sshll.u32 s0, $0x7;
	s16 =	sshll.u32 s16, $0x4;
	_ =	swait.ge [sflag:s25], $0xC80  }
0x47: {  	s0 =	sor.u32 s16, s0;
	[sflag:s25] =	ssyncset.done $0x0  }
0x48: {  	s16 =	sand.u32 $0xFFF0, s0;
	[sflag:s25] =	ssyncadd.s32 $0xFFFFF380  }
0x49: {  	s0 =	simm.s32 $0x1;
	v2 =	vld [tilespmem:s16+$0x0]  }
0x4a: {  	s17 =	smul.u32 $0xCCCD, s0;
	v3 =	vld [tilespmem:s16+$0x4000]  }
0x4b: {  	s16 =	simm.s32 $0x2  }
.LBB2_4:
0x4c: {  	p0 =	sne.s32 s16, $0x270;
	s17 =	sshrl.u32 s17, $0x12  }
0x4d: {  	s18 =	smul.u32 $0x5, s17;
	_ =	sdelay $0x1  }
0x4e: {  	s18 =	ssub.s32 s0, s18;
	s0 =	smov.u32 s16  }
0x4f: {  	s17 =	sshll.u32 s17, $0x7;
	s18 =	sshll.u32 s18, $0x4  }
.Ltmp1:
0x50: {  	s17 =	sor.u32 s18, s17;
	[tilespmem:v2+s26+$0x0] =	vst.idx.add.f32.msk $0xffff, v1;
	(pc) =	sbr.rel @p0 .LBB2_4-.Ltmp1, $4  }
0x51: {  	s18 =	sand.u32 $0xFFF0, s17;
	[tilespmem:v3+s28+$0x0] =	vst.idx.add.f32.msk $0xffff, v1  }
0x52: {  	v2 =	vld [tilespmem:s18+$0x0]  }
0x53: {  	s17 =	smul.u32 $0xCCCD, s16;
	v3 =	vld [tilespmem:s18+$0x4000]  }
0x54: {  	s16 =	sadd.s32 $0x1, s16  }
0x55: {  	_ = 	snop  }
0x56: {  	s16 =	sshrl.u32 s17, $0x12  }
0x57: {  	s17 =	smul.u32 $0x5, s16;
	_ =	sdelay $0x1  }
0x58: {  	s0 =	ssub.s32 s0, s17  }
0x59: {  	s16 =	sshll.u32 s16, $0x7;
	s0 =	sshll.u32 s0, $0x4  }
0x5a: {  	[tilespmem:v2+s26+$0x0] =	vst.idx.add.f32.msk $0xffff, v1;
	s0 =	sor.u32 s0, s16  }
0x5b: {  	[tilespmem:v3+s28+$0x0] =	vst.idx.add.f32.msk $0xffff, v1;
	s0 =	sand.u32 $0xFFF0, s0  }
0x5c: {  	v2 =	vld [tilespmem:s0+$0x0]  }
0x5d: {  	v3 =	vld [tilespmem:s0+$0x4000];
	_ =	sdelay $0x6  }
0x5e: {  	[tilespmem:v2+s26+$0x0] =	vst.idx.add.f32.msk $0xffff, v1  }
0x5f: {  	[tilespmem:v3+s28+$0x0] =	vst.idx.add.f32.msk $0xffff, v1  }
0x60: {  	[hbm4b:s3+s29] =	stream.strided.scatter [tilespmem:s26], [sflag:$0x2], $0x2800, s30, s29, $0x38;
	[tilespmem:$0xD000] =	vst v63  }
0x61: {  	s1 =	sadd.s32 $0x1, s1;
	_ =	swait.ge [sflag:s31], $0x2800  }
0x62: {  	p0 =	sne.s32 s1, s5;
	[sflag:s31] =	ssyncset.done $0x0  }
.Ltmp2:
0x63: {  	[sflag:s31] =	ssyncadd.s32 $0xFFFFD800;
	(pc) =	sbr.rel @p0 .LBB2_1-.Ltmp2, $4  }
0x64: {  	[hbm4b:s4+s29] =	stream.strided.scatter [tilespmem:s28], [sflag:$0x2], $0x2800, s30, s29, $0x38;
	[tilespmem:$0xD000] =	vst v63  }
0x65: {  	_ =	swait.ge [sflag:s31], $0x2800  }
0x66: {  	[sflag:s31] =	ssyncset.done $0x0  }
0x67: {  	[sflag:s31] =	ssyncadd.s32 $0xFFFFD800  }
0x68: {  	_ =	sfence.sel $0x180000  }
0x69: {  	[bflag:$0x0] =	sbarrier.arrive $0xFFFF  }
0x6a: {  	_ =	strace $0x90000047  }
0x6b: {  	s0 =	stileid.u32;
	[bflag:$0x2] =	sbarrier.arrive $0xFFFF  }
0x6c: {  	p0 =	sne.s32 s0, $0x0;
	s0 =	rddreg [dreg:$0x2]  }
0x6d: {  	s0 =	sadd.s32 @!p0 $0x100000, s0  }
0x6e: {  	[sflag:s0] =	ssyncadd.tile.s32 @!p0 $0x1;
	_ =	shalt  }
.Lfunc_end2:
_tile_overlayer_lowered:
.L_overlay_start_2:
0x6f: {  	(tag) =	ssettag $0x2  }
0x70: {  	s0 =	rddreg [dreg:$0x0];
	s2 =	stileid.u32  }
0x71: {  	s1 =	rddreg [dreg:$0x1];
	p0 =	sne.s32 s2, $0x0  }
0x72: {  	s3 =	rddreg [dreg:$0x2];
	[bflag:$0x3] =	sbarrier.arrive $0xFFFF;
	s2 =	simm.s32 @!p0 $0x1C02  }
0x73: {  	[timem:s3], [sflag:s2] =	dma.local @!p0 [hbm:s0], s1  }
0x74: {  	s0 =	simm.s32 @!p0 $0x2  }
0x75: {  	_ =	swait.ge @!p0 [sflag:s0], s1  }
0x76: {  	s1 =	ssub.s32 @!p0 $0x0, s1;
	[sflag:s0] =	ssyncset.done @!p0 $0x0  }
0x77: {  	[sflag:s0] =	ssyncadd.s32 @!p0 s1  }
0x78: {  	[bflag:$0x3] =	sbarrier.arrive $0xFFFF  }
0x79: {  	_ =	shalt  }

</sc_bundles>
